<compile_context>
chip_gen: v7x
topology: tpu7x:2x2x1
jax: 0.10.2.dev20260603
libtpu: 0.0.44.dev20260713+nightly
codegen_flags: <defaults>
</compile_context>

<pallas_src>
import functools

import jax
import jax.numpy as jnp
from jax import lax
from jax.experimental import pallas as pl
from jax.experimental.pallas import tpu as pltpu
from jax.experimental.pallas import tpu_sc as plsc

_N = 10000
_E = 160000
_C = 16
_H = 64
_W = 256
_NW = 32
_CHUNK = 125
_NCHUNK = _E // (_NW * _CHUNK)
_ROWS_PER_TILE = _N // 16
_DEPTH = 20

_sc_mesh = plsc.VectorSubcoreMesh(core_axis_name="c", subcore_axis_name="s")
_sc_params = pltpu.CompilerParams(use_tc_tiling_on_sc=False)


@functools.partial(
    pl.kernel,
    out_type=jax.ShapeDtypeStruct((_NW * _NCHUNK, _CHUNK, _C), jnp.float32),
    mesh=_sc_mesh,
    scratch_types=[
        pltpu.VMEM((_NCHUNK, _CHUNK), jnp.int32),
        pltpu.VMEM((_NCHUNK, _CHUNK, _C), jnp.float32),
        pltpu.SemaphoreType.DMA,
    ],
    compiler_params=_sc_params,
)
def _sc_gather(nf_hbm, src_hbm, out_hbm, idx_v, rows_v, sem):
    wid = lax.axis_index("s") * 2 + lax.axis_index("c")
    base = wid * _NCHUNK
    pltpu.sync_copy(src_hbm.at[pl.ds(base, _NCHUNK)], idx_v)

    for j in range(_DEPTH):
        pltpu.async_copy(nf_hbm.at[idx_v.at[j]], rows_v.at[j], sem)

    def step(j, carry):
        pltpu.make_async_copy(nf_hbm.at[idx_v.at[j]], rows_v.at[j], sem).wait()
        pltpu.async_copy(nf_hbm.at[idx_v.at[j + _DEPTH]],
                         rows_v.at[j + _DEPTH], sem)
        return carry

    lax.fori_loop(0, _NCHUNK - _DEPTH, step, 0)

    def drain(j, carry):
        pltpu.make_async_copy(nf_hbm.at[idx_v.at[j]], rows_v.at[j], sem).wait()
        return carry

    lax.fori_loop(_NCHUNK - _DEPTH, _NCHUNK, drain, 0)
    pltpu.sync_copy(rows_v, out_hbm.at[pl.ds(base, _NCHUNK)])


@functools.partial(
    pl.kernel,
    out_type=jax.ShapeDtypeStruct((2, _N, _C), jnp.float32),
    mesh=_sc_mesh,
    scratch_types=[
        pltpu.VMEM((_NCHUNK, _CHUNK), jnp.int32),
        pltpu.VMEM((_NCHUNK, _CHUNK, _C), jnp.float32),
        pltpu.VMEM_SHARED((_N, _C), jnp.float32),
        pltpu.SemaphoreType.DMA,
    ],
    compiler_params=_sc_params,
)
def _sc_scatter(msg_hbm, dst_hbm, zero_hbm, out_hbm, idx_v, msg_v, acc_sh,
                sem):
    c = lax.axis_index("c")
    s = lax.axis_index("s")
    wid = s * 2 + c
    base = wid * _NCHUNK
    stripe = s * _ROWS_PER_TILE
    pltpu.sync_copy(
        zero_hbm.at[pl.ds(stripe, _ROWS_PER_TILE)],
        acc_sh.at[pl.ds(stripe, _ROWS_PER_TILE)],
    )
    pltpu.sync_copy(dst_hbm.at[pl.ds(base, _NCHUNK)], idx_v)
    pltpu.sync_copy(msg_hbm.at[pl.ds(base, _NCHUNK)], msg_v)
    plsc.subcore_barrier()

    for j in range(_DEPTH):
        pltpu.async_copy(msg_v.at[j], acc_sh.at[idx_v.at[j]], sem, add=True)

    def step(j, carry):
        pltpu.make_async_copy(msg_v.at[j], acc_sh.at[idx_v.at[j]], sem).wait()
        pltpu.async_copy(msg_v.at[j + _DEPTH], acc_sh.at[idx_v.at[j + _DEPTH]],
                         sem, add=True)
        return carry

    lax.fori_loop(0, _NCHUNK - _DEPTH, step, 0)

    def drain(j, carry):
        pltpu.make_async_copy(msg_v.at[j], acc_sh.at[idx_v.at[j]], sem).wait()
        return carry

    lax.fori_loop(_NCHUNK - _DEPTH, _NCHUNK, drain, 0)
    plsc.subcore_barrier()
    pltpu.sync_copy(
        acc_sh.at[pl.ds(stripe, _ROWS_PER_TILE)],
        out_hbm.at[c, pl.ds(stripe, _ROWS_PER_TILE)],
    )


_EBLK = 16000
_RBLK = _EBLK // 8
_EROWS = _E // 8


def _messages_body(embp_ref, selp_ref, g_ref, sh_ref, w1_ref, b1_ref,
                   w2_ref, b2_ref, rexp_ref, ssum_ref, out_ref):
    embx = embp_ref[...] @ selp_ref[...]
    gp = g_ref[...]
    shb = sh_ref[...]
    outs = []
    for q in range(8):
        lo, hi = q * _C, (q + 1) * _C
        h = jax.nn.silu(embx[:, lo:hi] @ w1_ref[...] + b1_ref[...])
        tpw = h @ w2_ref[...] + b2_ref[...]
        u = gp[:, lo:hi] * shb[:, q:q + 1]
        urep = u @ rexp_ref[...]
        outs.append((tpw * urep) @ ssum_ref[...])
    out_ref[...] = jnp.concatenate(outs, axis=1)


def _tc_messages(embp, selp, g_p, sh_p8, w1, b1, w2s, b2s, rexp, ssum):
    full = lambda shape: pl.BlockSpec(shape, lambda i: (0, 0))
    row_spec = pl.BlockSpec((_RBLK, 128), lambda i: (i, 0))
    return pl.pallas_call(
        _messages_body,
        grid=(_EROWS // _RBLK,),
        in_specs=[
            row_spec,
            full((128, 128)),
            row_spec,
            pl.BlockSpec((_RBLK, 8), lambda i: (i, 0)),
            full((_C, _H)),
            full((1, _H)),
            full((_H, _W)),
            full((1, _W)),
            full((_C, _W)),
            full((_W, _C)),
        ],
        out_specs=row_spec,
        out_shape=jax.ShapeDtypeStruct((_EROWS, 128), jnp.float32),
    )(embp, selp, g_p, sh_p8, w1, b1, w2s, b2s, rexp, ssum)


_NROWS = _N // 8


def _final_body(p_ref, nf_ref, wl_ref, out_ref):
    aggp = p_ref[:_NROWS] + p_ref[_NROWS:]
    outs = []
    for q in range(8):
        lo, hi = q * _C, (q + 1) * _C
        t = aggp[:, lo:hi] @ wl_ref[...]
        norm = jnp.abs(t)
        activated = jax.nn.silu(norm) * t / (norm + 1e-8)
        outs.append(nf_ref[:, lo:hi] + activated)
    out_ref[...] = jnp.concatenate(outs, axis=1)


def _tc_final(part_p, nf_p, wls):
    return pl.pallas_call(
        _final_body,
        out_shape=jax.ShapeDtypeStruct((_NROWS, 128), jnp.float32),
    )(part_p, nf_p, wls)


def kernel(node_features, edge_index, edge_sh, edge_radial_emb,
           w1, b1, w2, b2, w_lin):
    src = (edge_index[0].astype(jnp.int32).reshape(8, _EROWS).T
           .reshape(_NW * _NCHUNK, _CHUNK))
    dst = (edge_index[1].astype(jnp.int32).reshape(8, _EROWS).T
           .reshape(_NW * _NCHUNK, _CHUNK))

    scale = 0.25
    w2s = w2 * scale
    b2s = (b2 * scale).reshape(1, _W)
    b1r = b1.reshape(1, _H)
    wls = w_lin * 0.25

    cols = jnp.arange(_W, dtype=jnp.int32)
    rexp = (cols[None, :] // _C == jnp.arange(_C, dtype=jnp.int32)[:, None])
    rexp = rexp.astype(jnp.float32)
    ssum = (cols[:, None] % _C == jnp.arange(_C, dtype=jnp.int32)[None, :])
    ssum = ssum.astype(jnp.float32)

    zeros = jnp.zeros((_N, _C), jnp.float32)

    embp = edge_radial_emb.T.reshape(128, _EROWS).T
    lanes = jnp.arange(128, dtype=jnp.int32)
    selp = ((lanes[:, None] % 8 == lanes[None, :] // _C)
            & (lanes[:, None] // 8 == lanes[None, :] % _C))
    selp = selp.astype(jnp.float32)
    sh_p8 = edge_sh.reshape(8, _EROWS).T

    gathered = _sc_gather(node_features, src)
    messages = _tc_messages(
        embp, selp, gathered.reshape(_EROWS, 128), sh_p8,
        w1, b1r, w2s, b2s, rexp, ssum)
    partials = _sc_scatter(messages.reshape(_NW * _NCHUNK, _CHUNK, _C),
                           dst, zeros)
    out_p = _tc_final(partials.reshape(2 * _NROWS, 128),
                      node_features.reshape(_NROWS, 128), wls)
    return out_p.reshape(_N, _C)

# --- scband reference (transcript-rebuilt; emitter-appended) ---
"""Pipeline reference for scband-tfninteraction-block-51058571215444 (READ-ONLY COPY).

The authoritative reference and input builder live on the scoring server;
editing this copy changes nothing except your own understanding.
"""

import jax, jax.numpy as jnp
import numpy as np

N_NODES = 10000
N_EDGES = 160000
C_IN = 16          # 16x0e
C_OUT = 16         # 16x0e
SH_DIM = 1         # 1x0e
NUM_BASIS = 16
HIDDEN = 64
WEIGHT_NUMEL = C_IN * SH_DIM * C_OUT  # 256


def setup_inputs(seed: int = 0) -> dict:
    key = jax.random.key(seed)
    ks = [jax.random.fold_in(key, i) for i in range(10)]
    node_features = jax.random.normal(ks[0], (N_NODES, C_IN), dtype=jnp.float32)
    edge_index = jax.random.randint(ks[1], (2, N_EDGES), 0, N_NODES, dtype=jnp.int64)
    edge_sh = jax.random.normal(ks[2], (N_EDGES, SH_DIM), dtype=jnp.float32)
    edge_radial_emb = jax.random.uniform(ks[3], (N_EDGES, NUM_BASIS), dtype=jnp.float32)
    # RadialMLP params: Linear(16->64), SiLU, Linear(64->256)
    w1 = jax.random.normal(ks[4], (NUM_BASIS, HIDDEN), dtype=jnp.float32) / np.sqrt(NUM_BASIS)
    b1 = jnp.zeros((HIDDEN,), dtype=jnp.float32)
    w2 = jax.random.normal(ks[5], (HIDDEN, WEIGHT_NUMEL), dtype=jnp.float32) / np.sqrt(HIDDEN)
    b2 = jnp.zeros((WEIGHT_NUMEL,), dtype=jnp.float32)
    # e3nn o3.Linear on 16x0e -> 16x0e (internal weights, no bias)
    w_lin = jax.random.normal(ks[6], (C_OUT, C_OUT), dtype=jnp.float32)
    return {
        "node_features": node_features,
        "edge_index": edge_index,
        "edge_sh": edge_sh,
        "edge_radial_emb": edge_radial_emb,
        "w1": w1, "b1": b1, "w2": w2, "b2": b2, "w_lin": w_lin,
    }


def reference(node_features, edge_index, edge_sh, edge_radial_emb, w1, b1, w2, b2, w_lin):
    edge_src = edge_index[0]
    edge_dst = edge_index[1]
    # RadialMLP -> per-edge tensor-product weights [E, weight_numel]
    h = jax.nn.silu(edge_radial_emb @ w1 + b1)
    tp_w = h @ w2 + b2                                    # [E, 256]
    tp_w = tp_w.reshape(-1, C_IN, C_OUT)                  # j (sh) dim is 1, folded in
    # gather source node features (SparseCore gather)
    node_features_src = jnp.take(node_features, edge_src, axis=0)  # [E, C_IN]
    # FullyConnectedTensorProduct 16x0e x 1x0e -> 16x0e with per-edge weights;
    # e3nn path normalization: 1/sqrt(fan_in) with fan_in = mul_in1 * mul_in2 = 16
    x_sh = node_features_src * edge_sh                    # [E, C_IN] (broadcast over sh scalar)
    messages = jnp.einsum('ei,eik->ek', x_sh, tp_w) / jnp.sqrt(float(C_IN * SH_DIM))
    # scatter_sum over destination nodes (SparseCore scatter-add)
    aggregated = jax.ops.segment_sum(messages, edge_dst, num_segments=node_features.shape[0])
    # e3nn Linear on scalars: x @ W / sqrt(fan_in)
    transformed = aggregated @ w_lin / jnp.sqrt(float(C_OUT))
    # NormActivation on 16x0e: each irrep is 1-dim -> norm = |x|, out = silu(|x|) * x / |x|
    norm = jnp.abs(transformed)
    activated = jax.nn.silu(norm) * transformed / (norm + 1e-8)
    # skip connection: input irreps == output irreps -> identity skip
    updated = node_features + activated
    return updated

if __name__ == "__main__":
    import jax
    _d = setup_inputs()
    print(jax.jit(kernel)(*tuple(_d.values())))

</pallas_src>

<mosaic_0001>
#map = affine_map<(d0, d1) -> (0, 0)>
#map1 = affine_map<(d0, d1) -> (0, 0, 0)>
module attributes {stable_mosaic.version = 14 : i64} {
  func.func @_sc_gather(%arg0: i32, %arg1: i32, %arg2: memref<10000x16xf32, #tpu.memory_space<hbm>>, %arg3: memref<1280x125xi32, #tpu.memory_space<hbm>>, %arg4: memref<1280x125x16xf32, #tpu.memory_space<hbm>>, %arg5: memref<40x125xi32, #tpu.memory_space<vmem>>, %arg6: memref<40x125x16xf32, #tpu.memory_space<vmem>>, %arg7: memref<!tpu.dma_semaphore, #tpu.memory_space<semaphore_mem>>) attributes {dimension_semantics = [#tpu.dimension_semantics<core_parallel>, #tpu.dimension_semantics<subcore_parallel>], iteration_bounds = array<i64: 2, 16>, scalar_prefetch = 0 : i64, scratch_operands = 3 : i64, tpu.core_type = #tpu.core_type<sc_vector_subcore>, window_params = [{transform_indices = #map}, {transform_indices = #map}, {transform_indices = #map1}]} {
    %mul3A = arith.constant 2 : i32
    %mul3A_0 = arith.muli %arg1, %mul3A : i32
    %add3A = arith.addi %mul3A_0, %arg0 : i32
    %mul3A_1 = arith.constant 40 : i32
    %mul3A_2 = arith.muli %add3A, %mul3A_1 : i32
    "tpu.region"() ({
      %run_scoped3A = tpu.sem_alloc : memref<!tpu.dma_semaphore, #tpu.memory_space<semaphore_mem>>
      %dma_start3A_253 = arith.constant 0 : i32
      %dma_start3A_254 = tpu.memref_slice %arg3[%mul3A_2, %dma_start3A_253] : memref<1280x125xi32, #tpu.memory_space<hbm>> -> memref<40x125xi32, #tpu.memory_space<hbm>>
      %dma_start3A_255 = arith.constant 0 : i32
      %dma_start3A_256 = tpu.memref_slice %arg3[%mul3A_2, %dma_start3A_255] : memref<1280x125xi32, #tpu.memory_space<hbm>> -> memref<40x125xi32, #tpu.memory_space<hbm>>
      tpu.enqueue_dma source(%dma_start3A_256 : memref<40x125xi32, #tpu.memory_space<hbm>>) target(%arg5 : memref<40x125xi32, #tpu.memory_space<vmem>>) target_semaphore(%run_scoped3A : memref<!tpu.dma_semaphore, #tpu.memory_space<semaphore_mem>>)
      %dma_wait3A = arith.constant 0 : i32
      %dma_wait3A_257 = tpu.memref_slice %arg3[%mul3A_2, %dma_wait3A] : memref<1280x125xi32, #tpu.memory_space<hbm>> -> memref<40x125xi32, #tpu.memory_space<hbm>>
      %dma_wait3A_258 = arith.constant 0 : i32
      %dma_wait3A_259 = tpu.memref_slice %arg3[%mul3A_2, %dma_wait3A_258] : memref<1280x125xi32, #tpu.memory_space<hbm>> -> memref<40x125xi32, #tpu.memory_space<hbm>>
      tpu.wait_dma2 semaphore(%run_scoped3A : memref<!tpu.dma_semaphore, #tpu.memory_space<semaphore_mem>>) src(%dma_wait3A_259 : memref<40x125xi32, #tpu.memory_space<hbm>>) dst(%arg5 : memref<40x125xi32, #tpu.memory_space<vmem>>)
      tpu.yield
    }) : () -> ()
    %dma_start3A = arith.constant 0 : i32
    %dma_start3A_3 = arith.constant 0 : i32
    %dma_start3A_4 = arith.constant 0 : i32
    %dma_start3A_5 = arith.constant 0 : i32
    %dma_start3A_6 = tpu.memref_slice %arg6[%dma_start3A_3, %dma_start3A_4, %dma_start3A_5] : memref<40x125x16xf32, #tpu.memory_space<vmem>> -> memref<1x125x16xf32, #tpu.memory_space<vmem>>
    %dma_start3A_7 = tpu.memref_squeeze %dma_start3A_6 : memref<1x125x16xf32, #tpu.memory_space<vmem>> -> memref<125x16xf32, #tpu.memory_space<vmem>>
    %dma_start3A_8 = arith.constant 0 : i32
    %dma_start3A_9 = tpu.memref_slice %arg5[%dma_start3A, %dma_start3A_8] : memref<40x125xi32, #tpu.memory_space<vmem>> -> memref<1x125xi32, #tpu.memory_space<vmem>>
    %dma_start3A_10 = tpu.memref_squeeze %dma_start3A_9 : memref<1x125xi32, #tpu.memory_space<vmem>> -> memref<125xi32, #tpu.memory_space<vmem>>
    %dma_start3A_11 = arith.constant 0 : i32
    %dma_start3A_12 = arith.constant 0 : i32
    %dma_start3A_13 = tpu.memref_slice %arg2[%dma_start3A_11, %dma_start3A_12] : memref<10000x16xf32, #tpu.memory_space<hbm>> -> memref<10000x16xf32, #tpu.memory_space<hbm>>
    tpu.enqueue_indirect_dma source(%dma_start3A_13 : memref<10000x16xf32, #tpu.memory_space<hbm>>) target(%dma_start3A_7 : memref<125x16xf32, #tpu.memory_space<vmem>>) offsets(%dma_start3A_10 : memref<125xi32, #tpu.memory_space<vmem>>) semaphore(%arg7 : memref<!tpu.dma_semaphore, #tpu.memory_space<semaphore_mem>>)
    %dma_start3A_14 = arith.constant 1 : i32
    %dma_start3A_15 = arith.constant 1 : i32
    %dma_start3A_16 = arith.constant 0 : i32
    %dma_start3A_17 = arith.constant 0 : i32
    %dma_start3A_18 = tpu.memref_slice %arg6[%dma_start3A_15, %dma_start3A_16, %dma_start3A_17] : memref<40x125x16xf32, #tpu.memory_space<vmem>> -> memref<1x125x16xf32, #tpu.memory_space<vmem>>
    %dma_start3A_19 = tpu.memref_squeeze %dma_start3A_18 : memref<1x125x16xf32, #tpu.memory_space<vmem>> -> memref<125x16xf32, #tpu.memory_space<vmem>>
    %dma_start3A_20 = arith.constant 0 : i32
    %dma_start3A_21 = tpu.memref_slice %arg5[%dma_start3A_14, %dma_start3A_20] : memref<40x125xi32, #tpu.memory_space<vmem>> -> memref<1x125xi32, #tpu.memory_space<vmem>>
    %dma_start3A_22 = tpu.memref_squeeze %dma_start3A_21 : memref<1x125xi32, #tpu.memory_space<vmem>> -> memref<125xi32, #tpu.memory_space<vmem>>
    %dma_start3A_23 = arith.constant 0 : i32
    %dma_start3A_24 = arith.constant 0 : i32
    %dma_start3A_25 = tpu.memref_slice %arg2[%dma_start3A_23, %dma_start3A_24] : memref<10000x16xf32, #tpu.memory_space<hbm>> -> memref<10000x16xf32, #tpu.memory_space<hbm>>
    tpu.enqueue_indirect_dma source(%dma_start3A_25 : memref<10000x16xf32, #tpu.memory_space<hbm>>) target(%dma_start3A_19 : memref<125x16xf32, #tpu.memory_space<vmem>>) offsets(%dma_start3A_22 : memref<125xi32, #tpu.memory_space<vmem>>) semaphore(%arg7 : memref<!tpu.dma_semaphore, #tpu.memory_space<semaphore_mem>>)
    %dma_start3A_26 = arith.constant 2 : i32
    %dma_start3A_27 = arith.constant 2 : i32
    %dma_start3A_28 = arith.constant 0 : i32
    %dma_start3A_29 = arith.constant 0 : i32
    %dma_start3A_30 = tpu.memref_slice %arg6[%dma_start3A_27, %dma_start3A_28, %dma_start3A_29] : memref<40x125x16xf32, #tpu.memory_space<vmem>> -> memref<1x125x16xf32, #tpu.memory_space<vmem>>
    %dma_start3A_31 = tpu.memref_squeeze %dma_start3A_30 : memref<1x125x16xf32, #tpu.memory_space<vmem>> -> memref<125x16xf32, #tpu.memory_space<vmem>>
    %dma_start3A_32 = arith.constant 0 : i32
    %dma_start3A_33 = tpu.memref_slice %arg5[%dma_start3A_26, %dma_start3A_32] : memref<40x125xi32, #tpu.memory_space<vmem>> -> memref<1x125xi32, #tpu.memory_space<vmem>>
    %dma_start3A_34 = tpu.memref_squeeze %dma_start3A_33 : memref<1x125xi32, #tpu.memory_space<vmem>> -> memref<125xi32, #tpu.memory_space<vmem>>
    %dma_start3A_35 = arith.constant 0 : i32
    %dma_start3A_36 = arith.constant 0 : i32
    %dma_start3A_37 = tpu.memref_slice %arg2[%dma_start3A_35, %dma_start3A_36] : memref<10000x16xf32, #tpu.memory_space<hbm>> -> memref<10000x16xf32, #tpu.memory_space<hbm>>
    tpu.enqueue_indirect_dma source(%dma_start3A_37 : memref<10000x16xf32, #tpu.memory_space<hbm>>) target(%dma_start3A_31 : memref<125x16xf32, #tpu.memory_space<vmem>>) offsets(%dma_start3A_34 : memref<125xi32, #tpu.memory_space<vmem>>) semaphore(%arg7 : memref<!tpu.dma_semaphore, #tpu.memory_space<semaphore_mem>>)
    %dma_start3A_38 = arith.constant 3 : i32
    %dma_start3A_39 = arith.constant 3 : i32
    %dma_start3A_40 = arith.constant 0 : i32
    %dma_start3A_41 = arith.constant 0 : i32
    %dma_start3A_42 = tpu.memref_slice %arg6[%dma_start3A_39, %dma_start3A_40, %dma_start3A_41] : memref<40x125x16xf32, #tpu.memory_space<vmem>> -> memref<1x125x16xf32, #tpu.memory_space<vmem>>
    %dma_start3A_43 = tpu.memref_squeeze %dma_start3A_42 : memref<1x125x16xf32, #tpu.memory_space<vmem>> -> memref<125x16xf32, #tpu.memory_space<vmem>>
    %dma_start3A_44 = arith.constant 0 : i32
    %dma_start3A_45 = tpu.memref_slice %arg5[%dma_start3A_38, %dma_start3A_44] : memref<40x125xi32, #tpu.memory_space<vmem>> -> memref<1x125xi32, #tpu.memory_space<vmem>>
    %dma_start3A_46 = tpu.memref_squeeze %dma_start3A_45 : memref<1x125xi32, #tpu.memory_space<vmem>> -> memref<125xi32, #tpu.memory_space<vmem>>
    %dma_start3A_47 = arith.constant 0 : i32
    %dma_start3A_48 = arith.constant 0 : i32
    %dma_start3A_49 = tpu.memref_slice %arg2[%dma_start3A_47, %dma_start3A_48] : memref<10000x16xf32, #tpu.memory_space<hbm>> -> memref<10000x16xf32, #tpu.memory_space<hbm>>
    tpu.enqueue_indirect_dma source(%dma_start3A_49 : memref<10000x16xf32, #tpu.memory_space<hbm>>) target(%dma_start3A_43 : memref<125x16xf32, #tpu.memory_space<vmem>>) offsets(%dma_start3A_46 : memref<125xi32, #tpu.memory_space<vmem>>) semaphore(%arg7 : memref<!tpu.dma_semaphore, #tpu.memory_space<semaphore_mem>>)
    %dma_start3A_50 = arith.constant 4 : i32
    %dma_start3A_51 = arith.constant 4 : i32
    %dma_start3A_52 = arith.constant 0 : i32
    %dma_start3A_53 = arith.constant 0 : i32
    %dma_start3A_54 = tpu.memref_slice %arg6[%dma_start3A_51, %dma_start3A_52, %dma_start3A_53] : memref<40x125x16xf32, #tpu.memory_space<vmem>> -> memref<1x125x16xf32, #tpu.memory_space<vmem>>
    %dma_start3A_55 = tpu.memref_squeeze %dma_start3A_54 : memref<1x125x16xf32, #tpu.memory_space<vmem>> -> memref<125x16xf32, #tpu.memory_space<vmem>>
    %dma_start3A_56 = arith.constant 0 : i32
    %dma_start3A_57 = tpu.memref_slice %arg5[%dma_start3A_50, %dma_start3A_56] : memref<40x125xi32, #tpu.memory_space<vmem>> -> memref<1x125xi32, #tpu.memory_space<vmem>>
    %dma_start3A_58 = tpu.memref_squeeze %dma_start3A_57 : memref<1x125xi32, #tpu.memory_space<vmem>> -> memref<125xi32, #tpu.memory_space<vmem>>
    %dma_start3A_59 = arith.constant 0 : i32
    %dma_start3A_60 = arith.constant 0 : i32
    %dma_start3A_61 = tpu.memref_slice %arg2[%dma_start3A_59, %dma_start3A_60] : memref<10000x16xf32, #tpu.memory_space<hbm>> -> memref<10000x16xf32, #tpu.memory_space<hbm>>
    tpu.enqueue_indirect_dma source(%dma_start3A_61 : memref<10000x16xf32, #tpu.memory_space<hbm>>) target(%dma_start3A_55 : memref<125x16xf32, #tpu.memory_space<vmem>>) offsets(%dma_start3A_58 : memref<125xi32, #tpu.memory_space<vmem>>) semaphore(%arg7 : memref<!tpu.dma_semaphore, #tpu.memory_space<semaphore_mem>>)
    %dma_start3A_62 = arith.constant 5 : i32
    %dma_start3A_63 = arith.constant 5 : i32
    %dma_start3A_64 = arith.constant 0 : i32
    %dma_start3A_65 = arith.constant 0 : i32
    %dma_start3A_66 = tpu.memref_slice %arg6[%dma_start3A_63, %dma_start3A_64, %dma_start3A_65] : memref<40x125x16xf32, #tpu.memory_space<vmem>> -> memref<1x125x16xf32, #tpu.memory_space<vmem>>
    %dma_start3A_67 = tpu.memref_squeeze %dma_start3A_66 : memref<1x125x16xf32, #tpu.memory_space<vmem>> -> memref<125x16xf32, #tpu.memory_space<vmem>>
    %dma_start3A_68 = arith.constant 0 : i32
    %dma_start3A_69 = tpu.memref_slice %arg5[%dma_start3A_62, %dma_start3A_68] : memref<40x125xi32, #tpu.memory_space<vmem>> -> memref<1x125xi32, #tpu.memory_space<vmem>>
    %dma_start3A_70 = tpu.memref_squeeze %dma_start3A_69 : memref<1x125xi32, #tpu.memory_space<vmem>> -> memref<125xi32, #tpu.memory_space<vmem>>
    %dma_start3A_71 = arith.constant 0 : i32
    %dma_start3A_72 = arith.constant 0 : i32
    %dma_start3A_73 = tpu.memref_slice %arg2[%dma_start3A_71, %dma_start3A_72] : memref<10000x16xf32, #tpu.memory_space<hbm>> -> memref<10000x16xf32, #tpu.memory_space<hbm>>
    tpu.enqueue_indirect_dma source(%dma_start3A_73 : memref<10000x16xf32, #tpu.memory_space<hbm>>) target(%dma_start3A_67 : memref<125x16xf32, #tpu.memory_space<vmem>>) offsets(%dma_start3A_70 : memref<125xi32, #tpu.memory_space<vmem>>) semaphore(%arg7 : memref<!tpu.dma_semaphore, #tpu.memory_space<semaphore_mem>>)
    %dma_start3A_74 = arith.constant 6 : i32
    %dma_start3A_75 = arith.constant 6 : i32
    %dma_start3A_76 = arith.constant 0 : i32
    %dma_start3A_77 = arith.constant 0 : i32
    %dma_start3A_78 = tpu.memref_slice %arg6[%dma_start3A_75, %dma_start3A_76, %dma_start3A_77] : memref<40x125x16xf32, #tpu.memory_space<vmem>> -> memref<1x125x16xf32, #tpu.memory_space<vmem>>
    %dma_start3A_79 = tpu.memref_squeeze %dma_start3A_78 : memref<1x125x16xf32, #tpu.memory_space<vmem>> -> memref<125x16xf32, #tpu.memory_space<vmem>>
    %dma_start3A_80 = arith.constant 0 : i32
    %dma_start3A_81 = tpu.memref_slice %arg5[%dma_start3A_74, %dma_start3A_80] : memref<40x125xi32, #tpu.memory_space<vmem>> -> memref<1x125xi32, #tpu.memory_space<vmem>>
    %dma_start3A_82 = tpu.memref_squeeze %dma_start3A_81 : memref<1x125xi32, #tpu.memory_space<vmem>> -> memref<125xi32, #tpu.memory_space<vmem>>
    %dma_start3A_83 = arith.constant 0 : i32
    %dma_start3A_84 = arith.constant 0 : i32
    %dma_start3A_85 = tpu.memref_slice %arg2[%dma_start3A_83, %dma_start3A_84] : memref<10000x16xf32, #tpu.memory_space<hbm>> -> memref<10000x16xf32, #tpu.memory_space<hbm>>
    tpu.enqueue_indirect_dma source(%dma_start3A_85 : memref<10000x16xf32, #tpu.memory_space<hbm>>) target(%dma_start3A_79 : memref<125x16xf32, #tpu.memory_space<vmem>>) offsets(%dma_start3A_82 : memref<125xi32, #tpu.memory_space<vmem>>) semaphore(%arg7 : memref<!tpu.dma_semaphore, #tpu.memory_space<semaphore_mem>>)
    %dma_start3A_86 = arith.constant 7 : i32
    %dma_start3A_87 = arith.constant 7 : i32
    %dma_start3A_88 = arith.constant 0 : i32
    %dma_start3A_89 = arith.constant 0 : i32
    %dma_start3A_90 = tpu.memref_slice %arg6[%dma_start3A_87, %dma_start3A_88, %dma_start3A_89] : memref<40x125x16xf32, #tpu.memory_space<vmem>> -> memref<1x125x16xf32, #tpu.memory_space<vmem>>
    %dma_start3A_91 = tpu.memref_squeeze %dma_start3A_90 : memref<1x125x16xf32, #tpu.memory_space<vmem>> -> memref<125x16xf32, #tpu.memory_space<vmem>>
    %dma_start3A_92 = arith.constant 0 : i32
    %dma_start3A_93 = tpu.memref_slice %arg5[%dma_start3A_86, %dma_start3A_92] : memref<40x125xi32, #tpu.memory_space<vmem>> -> memref<1x125xi32, #tpu.memory_space<vmem>>
    %dma_start3A_94 = tpu.memref_squeeze %dma_start3A_93 : memref<1x125xi32, #tpu.memory_space<vmem>> -> memref<125xi32, #tpu.memory_space<vmem>>
    %dma_start3A_95 = arith.constant 0 : i32
    %dma_start3A_96 = arith.constant 0 : i32
    %dma_start3A_97 = tpu.memref_slice %arg2[%dma_start3A_95, %dma_start3A_96] : memref<10000x16xf32, #tpu.memory_space<hbm>> -> memref<10000x16xf32, #tpu.memory_space<hbm>>
    tpu.enqueue_indirect_dma source(%dma_start3A_97 : memref<10000x16xf32, #tpu.memory_space<hbm>>) target(%dma_start3A_91 : memref<125x16xf32, #tpu.memory_space<vmem>>) offsets(%dma_start3A_94 : memref<125xi32, #tpu.memory_space<vmem>>) semaphore(%arg7 : memref<!tpu.dma_semaphore, #tpu.memory_space<semaphore_mem>>)
    %dma_start3A_98 = arith.constant 8 : i32
    %dma_start3A_99 = arith.constant 8 : i32
    %dma_start3A_100 = arith.constant 0 : i32
    %dma_start3A_101 = arith.constant 0 : i32
    %dma_start3A_102 = tpu.memref_slice %arg6[%dma_start3A_99, %dma_start3A_100, %dma_start3A_101] : memref<40x125x16xf32, #tpu.memory_space<vmem>> -> memref<1x125x16xf32, #tpu.memory_space<vmem>>
    %dma_start3A_103 = tpu.memref_squeeze %dma_start3A_102 : memref<1x125x16xf32, #tpu.memory_space<vmem>> -> memref<125x16xf32, #tpu.memory_space<vmem>>
    %dma_start3A_104 = arith.constant 0 : i32
    %dma_start3A_105 = tpu.memref_slice %arg5[%dma_start3A_98, %dma_start3A_104] : memref<40x125xi32, #tpu.memory_space<vmem>> -> memref<1x125xi32, #tpu.memory_space<vmem>>
    %dma_start3A_106 = tpu.memref_squeeze %dma_start3A_105 : memref<1x125xi32, #tpu.memory_space<vmem>> -> memref<125xi32, #tpu.memory_space<vmem>>
    %dma_start3A_107 = arith.constant 0 : i32
    %dma_start3A_108 = arith.constant 0 : i32
    %dma_start3A_109 = tpu.memref_slice %arg2[%dma_start3A_107, %dma_start3A_108] : memref<10000x16xf32, #tpu.memory_space<hbm>> -> memref<10000x16xf32, #tpu.memory_space<hbm>>
    tpu.enqueue_indirect_dma source(%dma_start3A_109 : memref<10000x16xf32, #tpu.memory_space<hbm>>) target(%dma_start3A_103 : memref<125x16xf32, #tpu.memory_space<vmem>>) offsets(%dma_start3A_106 : memref<125xi32, #tpu.memory_space<vmem>>) semaphore(%arg7 : memref<!tpu.dma_semaphore, #tpu.memory_space<semaphore_mem>>)
    %dma_start3A_110 = arith.constant 9 : i32
    %dma_start3A_111 = arith.constant 9 : i32
    %dma_start3A_112 = arith.constant 0 : i32
    %dma_start3A_113 = arith.constant 0 : i32
    %dma_start3A_114 = tpu.memref_slice %arg6[%dma_start3A_111, %dma_start3A_112, %dma_start3A_113] : memref<40x125x16xf32, #tpu.memory_space<vmem>> -> memref<1x125x16xf32, #tpu.memory_space<vmem>>
    %dma_start3A_115 = tpu.memref_squeeze %dma_start3A_114 : memref<1x125x16xf32, #tpu.memory_space<vmem>> -> memref<125x16xf32, #tpu.memory_space<vmem>>
    %dma_start3A_116 = arith.constant 0 : i32
    %dma_start3A_117 = tpu.memref_slice %arg5[%dma_start3A_110, %dma_start3A_116] : memref<40x125xi32, #tpu.memory_space<vmem>> -> memref<1x125xi32, #tpu.memory_space<vmem>>
    %dma_start3A_118 = tpu.memref_squeeze %dma_start3A_117 : memref<1x125xi32, #tpu.memory_space<vmem>> -> memref<125xi32, #tpu.memory_space<vmem>>
    %dma_start3A_119 = arith.constant 0 : i32
    %dma_start3A_120 = arith.constant 0 : i32
    %dma_start3A_121 = tpu.memref_slice %arg2[%dma_start3A_119, %dma_start3A_120] : memref<10000x16xf32, #tpu.memory_space<hbm>> -> memref<10000x16xf32, #tpu.memory_space<hbm>>
    tpu.enqueue_indirect_dma source(%dma_start3A_121 : memref<10000x16xf32, #tpu.memory_space<hbm>>) target(%dma_start3A_115 : memref<125x16xf32, #tpu.memory_space<vmem>>) offsets(%dma_start3A_118 : memref<125xi32, #tpu.memory_space<vmem>>) semaphore(%arg7 : memref<!tpu.dma_semaphore, #tpu.memory_space<semaphore_mem>>)
    %dma_start3A_122 = arith.constant 10 : i32
    %dma_start3A_123 = arith.constant 10 : i32
    %dma_start3A_124 = arith.constant 0 : i32
    %dma_start3A_125 = arith.constant 0 : i32
    %dma_start3A_126 = tpu.memref_slice %arg6[%dma_start3A_123, %dma_start3A_124, %dma_start3A_125] : memref<40x125x16xf32, #tpu.memory_space<vmem>> -> memref<1x125x16xf32, #tpu.memory_space<vmem>>
    %dma_start3A_127 = tpu.memref_squeeze %dma_start3A_126 : memref<1x125x16xf32, #tpu.memory_space<vmem>> -> memref<125x16xf32, #tpu.memory_space<vmem>>
    %dma_start3A_128 = arith.constant 0 : i32
    %dma_start3A_129 = tpu.memref_slice %arg5[%dma_start3A_122, %dma_start3A_128] : memref<40x125xi32, #tpu.memory_space<vmem>> -> memref<1x125xi32, #tpu.memory_space<vmem>>
    %dma_start3A_130 = tpu.memref_squeeze %dma_start3A_129 : memref<1x125xi32, #tpu.memory_space<vmem>> -> memref<125xi32, #tpu.memory_space<vmem>>
    %dma_start3A_131 = arith.constant 0 : i32
    %dma_start3A_132 = arith.constant 0 : i32
    %dma_start3A_133 = tpu.memref_slice %arg2[%dma_start3A_131, %dma_start3A_132] : memref<10000x16xf32, #tpu.memory_space<hbm>> -> memref<10000x16xf32, #tpu.memory_space<hbm>>
    tpu.enqueue_indirect_dma source(%dma_start3A_133 : memref<10000x16xf32, #tpu.memory_space<hbm>>) target(%dma_start3A_127 : memref<125x16xf32, #tpu.memory_space<vmem>>) offsets(%dma_start3A_130 : memref<125xi32, #tpu.memory_space<vmem>>) semaphore(%arg7 : memref<!tpu.dma_semaphore, #tpu.memory_space<semaphore_mem>>)
    %dma_start3A_134 = arith.constant 11 : i32
    %dma_start3A_135 = arith.constant 11 : i32
    %dma_start3A_136 = arith.constant 0 : i32
    %dma_start3A_137 = arith.constant 0 : i32
    %dma_start3A_138 = tpu.memref_slice %arg6[%dma_start3A_135, %dma_start3A_136, %dma_start3A_137] : memref<40x125x16xf32, #tpu.memory_space<vmem>> -> memref<1x125x16xf32, #tpu.memory_space<vmem>>
    %dma_start3A_139 = tpu.memref_squeeze %dma_start3A_138 : memref<1x125x16xf32, #tpu.memory_space<vmem>> -> memref<125x16xf32, #tpu.memory_space<vmem>>
    %dma_start3A_140 = arith.constant 0 : i32
    %dma_start3A_141 = tpu.memref_slice %arg5[%dma_start3A_134, %dma_start3A_140] : memref<40x125xi32, #tpu.memory_space<vmem>> -> memref<1x125xi32, #tpu.memory_space<vmem>>
    %dma_start3A_142 = tpu.memref_squeeze %dma_start3A_141 : memref<1x125xi32, #tpu.memory_space<vmem>> -> memref<125xi32, #tpu.memory_space<vmem>>
    %dma_start3A_143 = arith.constant 0 : i32
    %dma_start3A_144 = arith.constant 0 : i32
    %dma_start3A_145 = tpu.memref_slice %arg2[%dma_start3A_143, %dma_start3A_144] : memref<10000x16xf32, #tpu.memory_space<hbm>> -> memref<10000x16xf32, #tpu.memory_space<hbm>>
    tpu.enqueue_indirect_dma source(%dma_start3A_145 : memref<10000x16xf32, #tpu.memory_space<hbm>>) target(%dma_start3A_139 : memref<125x16xf32, #tpu.memory_space<vmem>>) offsets(%dma_start3A_142 : memref<125xi32, #tpu.memory_space<vmem>>) semaphore(%arg7 : memref<!tpu.dma_semaphore, #tpu.memory_space<semaphore_mem>>)
    %dma_start3A_146 = arith.constant 12 : i32
    %dma_start3A_147 = arith.constant 12 : i32
    %dma_start3A_148 = arith.constant 0 : i32
    %dma_start3A_149 = arith.constant 0 : i32
    %dma_start3A_150 = tpu.memref_slice %arg6[%dma_start3A_147, %dma_start3A_148, %dma_start3A_149] : memref<40x125x16xf32, #tpu.memory_space<vmem>> -> memref<1x125x16xf32, #tpu.memory_space<vmem>>
    %dma_start3A_151 = tpu.memref_squeeze %dma_start3A_150 : memref<1x125x16xf32, #tpu.memory_space<vmem>> -> memref<125x16xf32, #tpu.memory_space<vmem>>
    %dma_start3A_152 = arith.constant 0 : i32
    %dma_start3A_153 = tpu.memref_slice %arg5[%dma_start3A_146, %dma_start3A_152] : memref<40x125xi32, #tpu.memory_space<vmem>> -> memref<1x125xi32, #tpu.memory_space<vmem>>
    %dma_start3A_154 = tpu.memref_squeeze %dma_start3A_153 : memref<1x125xi32, #tpu.memory_space<vmem>> -> memref<125xi32, #tpu.memory_space<vmem>>
    %dma_start3A_155 = arith.constant 0 : i32
    %dma_start3A_156 = arith.constant 0 : i32
    %dma_start3A_157 = tpu.memref_slice %arg2[%dma_start3A_155, %dma_start3A_156] : memref<10000x16xf32, #tpu.memory_space<hbm>> -> memref<10000x16xf32, #tpu.memory_space<hbm>>
    tpu.enqueue_indirect_dma source(%dma_start3A_157 : memref<10000x16xf32, #tpu.memory_space<hbm>>) target(%dma_start3A_151 : memref<125x16xf32, #tpu.memory_space<vmem>>) offsets(%dma_start3A_154 : memref<125xi32, #tpu.memory_space<vmem>>) semaphore(%arg7 : memref<!tpu.dma_semaphore, #tpu.memory_space<semaphore_mem>>)
    %dma_start3A_158 = arith.constant 13 : i32
    %dma_start3A_159 = arith.constant 13 : i32
    %dma_start3A_160 = arith.constant 0 : i32
    %dma_start3A_161 = arith.constant 0 : i32
    %dma_start3A_162 = tpu.memref_slice %arg6[%dma_start3A_159, %dma_start3A_160, %dma_start3A_161] : memref<40x125x16xf32, #tpu.memory_space<vmem>> -> memref<1x125x16xf32, #tpu.memory_space<vmem>>
    %dma_start3A_163 = tpu.memref_squeeze %dma_start3A_162 : memref<1x125x16xf32, #tpu.memory_space<vmem>> -> memref<125x16xf32, #tpu.memory_space<vmem>>
    %dma_start3A_164 = arith.constant 0 : i32
    %dma_start3A_165 = tpu.memref_slice %arg5[%dma_start3A_158, %dma_start3A_164] : memref<40x125xi32, #tpu.memory_space<vmem>> -> memref<1x125xi32, #tpu.memory_space<vmem>>
    %dma_start3A_166 = tpu.memref_squeeze %dma_start3A_165 : memref<1x125xi32, #tpu.memory_space<vmem>> -> memref<125xi32, #tpu.memory_space<vmem>>
    %dma_start3A_167 = arith.constant 0 : i32
    %dma_start3A_168 = arith.constant 0 : i32
    %dma_start3A_169 = tpu.memref_slice %arg2[%dma_start3A_167, %dma_start3A_168] : memref<10000x16xf32, #tpu.memory_space<hbm>> -> memref<10000x16xf32, #tpu.memory_space<hbm>>
    tpu.enqueue_indirect_dma source(%dma_start3A_169 : memref<10000x16xf32, #tpu.memory_space<hbm>>) target(%dma_start3A_163 : memref<125x16xf32, #tpu.memory_space<vmem>>) offsets(%dma_start3A_166 : memref<125xi32, #tpu.memory_space<vmem>>) semaphore(%arg7 : memref<!tpu.dma_semaphore, #tpu.memory_space<semaphore_mem>>)
    %dma_start3A_170 = arith.constant 14 : i32
    %dma_start3A_171 = arith.constant 14 : i32
    %dma_start3A_172 = arith.constant 0 : i32
    %dma_start3A_173 = arith.constant 0 : i32
    %dma_start3A_174 = tpu.memref_slice %arg6[%dma_start3A_171, %dma_start3A_172, %dma_start3A_173] : memref<40x125x16xf32, #tpu.memory_space<vmem>> -> memref<1x125x16xf32, #tpu.memory_space<vmem>>
    %dma_start3A_175 = tpu.memref_squeeze %dma_start3A_174 : memref<1x125x16xf32, #tpu.memory_space<vmem>> -> memref<125x16xf32, #tpu.memory_space<vmem>>
    %dma_start3A_176 = arith.constant 0 : i32
    %dma_start3A_177 = tpu.memref_slice %arg5[%dma_start3A_170, %dma_start3A_176] : memref<40x125xi32, #tpu.memory_space<vmem>> -> memref<1x125xi32, #tpu.memory_space<vmem>>
    %dma_start3A_178 = tpu.memref_squeeze %dma_start3A_177 : memref<1x125xi32, #tpu.memory_space<vmem>> -> memref<125xi32, #tpu.memory_space<vmem>>
    %dma_start3A_179 = arith.constant 0 : i32
    %dma_start3A_180 = arith.constant 0 : i32
    %dma_start3A_181 = tpu.memref_slice %arg2[%dma_start3A_179, %dma_start3A_180] : memref<10000x16xf32, #tpu.memory_space<hbm>> -> memref<10000x16xf32, #tpu.memory_space<hbm>>
    tpu.enqueue_indirect_dma source(%dma_start3A_181 : memref<10000x16xf32, #tpu.memory_space<hbm>>) target(%dma_start3A_175 : memref<125x16xf32, #tpu.memory_space<vmem>>) offsets(%dma_start3A_178 : memref<125xi32, #tpu.memory_space<vmem>>) semaphore(%arg7 : memref<!tpu.dma_semaphore, #tpu.memory_space<semaphore_mem>>)
    %dma_start3A_182 = arith.constant 15 : i32
    %dma_start3A_183 = arith.constant 15 : i32
    %dma_start3A_184 = arith.constant 0 : i32
    %dma_start3A_185 = arith.constant 0 : i32
    %dma_start3A_186 = tpu.memref_slice %arg6[%dma_start3A_183, %dma_start3A_184, %dma_start3A_185] : memref<40x125x16xf32, #tpu.memory_space<vmem>> -> memref<1x125x16xf32, #tpu.memory_space<vmem>>
    %dma_start3A_187 = tpu.memref_squeeze %dma_start3A_186 : memref<1x125x16xf32, #tpu.memory_space<vmem>> -> memref<125x16xf32, #tpu.memory_space<vmem>>
    %dma_start3A_188 = arith.constant 0 : i32
    %dma_start3A_189 = tpu.memref_slice %arg5[%dma_start3A_182, %dma_start3A_188] : memref<40x125xi32, #tpu.memory_space<vmem>> -> memref<1x125xi32, #tpu.memory_space<vmem>>
    %dma_start3A_190 = tpu.memref_squeeze %dma_start3A_189 : memref<1x125xi32, #tpu.memory_space<vmem>> -> memref<125xi32, #tpu.memory_space<vmem>>
    %dma_start3A_191 = arith.constant 0 : i32
    %dma_start3A_192 = arith.constant 0 : i32
    %dma_start3A_193 = tpu.memref_slice %arg2[%dma_start3A_191, %dma_start3A_192] : memref<10000x16xf32, #tpu.memory_space<hbm>> -> memref<10000x16xf32, #tpu.memory_space<hbm>>
    tpu.enqueue_indirect_dma source(%dma_start3A_193 : memref<10000x16xf32, #tpu.memory_space<hbm>>) target(%dma_start3A_187 : memref<125x16xf32, #tpu.memory_space<vmem>>) offsets(%dma_start3A_190 : memref<125xi32, #tpu.memory_space<vmem>>) semaphore(%arg7 : memref<!tpu.dma_semaphore, #tpu.memory_space<semaphore_mem>>)
    %dma_start3A_194 = arith.constant 16 : i32
    %dma_start3A_195 = arith.constant 16 : i32
    %dma_start3A_196 = arith.constant 0 : i32
    %dma_start3A_197 = arith.constant 0 : i32
    %dma_start3A_198 = tpu.memref_slice %arg6[%dma_start3A_195, %dma_start3A_196, %dma_start3A_197] : memref<40x125x16xf32, #tpu.memory_space<vmem>> -> memref<1x125x16xf32, #tpu.memory_space<vmem>>
    %dma_start3A_199 = tpu.memref_squeeze %dma_start3A_198 : memref<1x125x16xf32, #tpu.memory_space<vmem>> -> memref<125x16xf32, #tpu.memory_space<vmem>>
    %dma_start3A_200 = arith.constant 0 : i32
    %dma_start3A_201 = tpu.memref_slice %arg5[%dma_start3A_194, %dma_start3A_200] : memref<40x125xi32, #tpu.memory_space<vmem>> -> memref<1x125xi32, #tpu.memory_space<vmem>>
    %dma_start3A_202 = tpu.memref_squeeze %dma_start3A_201 : memref<1x125xi32, #tpu.memory_space<vmem>> -> memref<125xi32, #tpu.memory_space<vmem>>
    %dma_start3A_203 = arith.constant 0 : i32
    %dma_start3A_204 = arith.constant 0 : i32
    %dma_start3A_205 = tpu.memref_slice %arg2[%dma_start3A_203, %dma_start3A_204] : memref<10000x16xf32, #tpu.memory_space<hbm>> -> memref<10000x16xf32, #tpu.memory_space<hbm>>
    tpu.enqueue_indirect_dma source(%dma_start3A_205 : memref<10000x16xf32, #tpu.memory_space<hbm>>) target(%dma_start3A_199 : memref<125x16xf32, #tpu.memory_space<vmem>>) offsets(%dma_start3A_202 : memref<125xi32, #tpu.memory_space<vmem>>) semaphore(%arg7 : memref<!tpu.dma_semaphore, #tpu.memory_space<semaphore_mem>>)
    %dma_start3A_206 = arith.constant 17 : i32
    %dma_start3A_207 = arith.constant 17 : i32
    %dma_start3A_208 = arith.constant 0 : i32
    %dma_start3A_209 = arith.constant 0 : i32
    %dma_start3A_210 = tpu.memref_slice %arg6[%dma_start3A_207, %dma_start3A_208, %dma_start3A_209] : memref<40x125x16xf32, #tpu.memory_space<vmem>> -> memref<1x125x16xf32, #tpu.memory_space<vmem>>
    %dma_start3A_211 = tpu.memref_squeeze %dma_start3A_210 : memref<1x125x16xf32, #tpu.memory_space<vmem>> -> memref<125x16xf32, #tpu.memory_space<vmem>>
    %dma_start3A_212 = arith.constant 0 : i32
    %dma_start3A_213 = tpu.memref_slice %arg5[%dma_start3A_206, %dma_start3A_212] : memref<40x125xi32, #tpu.memory_space<vmem>> -> memref<1x125xi32, #tpu.memory_space<vmem>>
    %dma_start3A_214 = tpu.memref_squeeze %dma_start3A_213 : memref<1x125xi32, #tpu.memory_space<vmem>> -> memref<125xi32, #tpu.memory_space<vmem>>
    %dma_start3A_215 = arith.constant 0 : i32
    %dma_start3A_216 = arith.constant 0 : i32
    %dma_start3A_217 = tpu.memref_slice %arg2[%dma_start3A_215, %dma_start3A_216] : memref<10000x16xf32, #tpu.memory_space<hbm>> -> memref<10000x16xf32, #tpu.memory_space<hbm>>
    tpu.enqueue_indirect_dma source(%dma_start3A_217 : memref<10000x16xf32, #tpu.memory_space<hbm>>) target(%dma_start3A_211 : memref<125x16xf32, #tpu.memory_space<vmem>>) offsets(%dma_start3A_214 : memref<125xi32, #tpu.memory_space<vmem>>) semaphore(%arg7 : memref<!tpu.dma_semaphore, #tpu.memory_space<semaphore_mem>>)
    %dma_start3A_218 = arith.constant 18 : i32
    %dma_start3A_219 = arith.constant 18 : i32
    %dma_start3A_220 = arith.constant 0 : i32
    %dma_start3A_221 = arith.constant 0 : i32
    %dma_start3A_222 = tpu.memref_slice %arg6[%dma_start3A_219, %dma_start3A_220, %dma_start3A_221] : memref<40x125x16xf32, #tpu.memory_space<vmem>> -> memref<1x125x16xf32, #tpu.memory_space<vmem>>
    %dma_start3A_223 = tpu.memref_squeeze %dma_start3A_222 : memref<1x125x16xf32, #tpu.memory_space<vmem>> -> memref<125x16xf32, #tpu.memory_space<vmem>>
    %dma_start3A_224 = arith.constant 0 : i32
    %dma_start3A_225 = tpu.memref_slice %arg5[%dma_start3A_218, %dma_start3A_224] : memref<40x125xi32, #tpu.memory_space<vmem>> -> memref<1x125xi32, #tpu.memory_space<vmem>>
    %dma_start3A_226 = tpu.memref_squeeze %dma_start3A_225 : memref<1x125xi32, #tpu.memory_space<vmem>> -> memref<125xi32, #tpu.memory_space<vmem>>
    %dma_start3A_227 = arith.constant 0 : i32
    %dma_start3A_228 = arith.constant 0 : i32
    %dma_start3A_229 = tpu.memref_slice %arg2[%dma_start3A_227, %dma_start3A_228] : memref<10000x16xf32, #tpu.memory_space<hbm>> -> memref<10000x16xf32, #tpu.memory_space<hbm>>
    tpu.enqueue_indirect_dma source(%dma_start3A_229 : memref<10000x16xf32, #tpu.memory_space<hbm>>) target(%dma_start3A_223 : memref<125x16xf32, #tpu.memory_space<vmem>>) offsets(%dma_start3A_226 : memref<125xi32, #tpu.memory_space<vmem>>) semaphore(%arg7 : memref<!tpu.dma_semaphore, #tpu.memory_space<semaphore_mem>>)
    %dma_start3A_230 = arith.constant 19 : i32
    %dma_start3A_231 = arith.constant 19 : i32
    %dma_start3A_232 = arith.constant 0 : i32
    %dma_start3A_233 = arith.constant 0 : i32
    %dma_start3A_234 = tpu.memref_slice %arg6[%dma_start3A_231, %dma_start3A_232, %dma_start3A_233] : memref<40x125x16xf32, #tpu.memory_space<vmem>> -> memref<1x125x16xf32, #tpu.memory_space<vmem>>
    %dma_start3A_235 = tpu.memref_squeeze %dma_start3A_234 : memref<1x125x16xf32, #tpu.memory_space<vmem>> -> memref<125x16xf32, #tpu.memory_space<vmem>>
    %dma_start3A_236 = arith.constant 0 : i32
    %dma_start3A_237 = tpu.memref_slice %arg5[%dma_start3A_230, %dma_start3A_236] : memref<40x125xi32, #tpu.memory_space<vmem>> -> memref<1x125xi32, #tpu.memory_space<vmem>>
    %dma_start3A_238 = tpu.memref_squeeze %dma_start3A_237 : memref<1x125xi32, #tpu.memory_space<vmem>> -> memref<125xi32, #tpu.memory_space<vmem>>
    %dma_start3A_239 = arith.constant 0 : i32
    %dma_start3A_240 = arith.constant 0 : i32
    %dma_start3A_241 = tpu.memref_slice %arg2[%dma_start3A_239, %dma_start3A_240] : memref<10000x16xf32, #tpu.memory_space<hbm>> -> memref<10000x16xf32, #tpu.memory_space<hbm>>
    tpu.enqueue_indirect_dma source(%dma_start3A_241 : memref<10000x16xf32, #tpu.memory_space<hbm>>) target(%dma_start3A_235 : memref<125x16xf32, #tpu.memory_space<vmem>>) offsets(%dma_start3A_238 : memref<125xi32, #tpu.memory_space<vmem>>) semaphore(%arg7 : memref<!tpu.dma_semaphore, #tpu.memory_space<semaphore_mem>>)
    %scan3A = arith.constant 0 : i32
    %scan3A_242 = arith.constant 0 : i32
    %scan3A_243 = arith.constant 20 : i32
    %scan3A_244 = arith.addi %scan3A_242, %scan3A_243 : i32
    %scan3A_245 = arith.constant 1 : i32
    scf.for %scan3A_253 = %scan3A_242 to %scan3A_244 step %scan3A_245  : i32 {
      %dma_wait3A = arith.constant 0 : i32
      %dma_wait3A_254 = arith.constant 0 : i32
      %dma_wait3A_255 = tpu.memref_slice %arg6[%scan3A_253, %dma_wait3A, %dma_wait3A_254] : memref<40x125x16xf32, #tpu.memory_space<vmem>> -> memref<1x125x16xf32, #tpu.memory_space<vmem>>
      %dma_wait3A_256 = tpu.memref_squeeze %dma_wait3A_255 : memref<1x125x16xf32, #tpu.memory_space<vmem>> -> memref<125x16xf32, #tpu.memory_space<vmem>>
      %dma_wait3A_257 = arith.constant 0 : i32
      %dma_wait3A_258 = tpu.memref_slice %arg5[%scan3A_253, %dma_wait3A_257] : memref<40x125xi32, #tpu.memory_space<vmem>> -> memref<1x125xi32, #tpu.memory_space<vmem>>
      %dma_wait3A_259 = tpu.memref_squeeze %dma_wait3A_258 : memref<1x125xi32, #tpu.memory_space<vmem>> -> memref<125xi32, #tpu.memory_space<vmem>>
      %dma_wait3A_260 = arith.constant 0 : i32
      %dma_wait3A_261 = arith.constant 0 : i32
      %dma_wait3A_262 = tpu.memref_slice %arg2[%dma_wait3A_260, %dma_wait3A_261] : memref<10000x16xf32, #tpu.memory_space<hbm>> -> memref<10000x16xf32, #tpu.memory_space<hbm>>
      tpu.wait_indirect_dma semaphore(%arg7 : memref<!tpu.dma_semaphore, #tpu.memory_space<semaphore_mem>>) src(%dma_wait3A_262 : memref<10000x16xf32, #tpu.memory_space<hbm>>) dst(%dma_wait3A_256 : memref<125x16xf32, #tpu.memory_space<vmem>>)
      %add3A_263 = arith.constant 20 : i32
      %add3A_264 = arith.addi %scan3A_253, %add3A_263 : i32
      %add3A_265 = arith.constant 20 : i32
      %add3A_266 = arith.addi %scan3A_253, %add3A_265 : i32
      %dma_start3A_267 = arith.constant 0 : i32
      %dma_start3A_268 = arith.constant 0 : i32
      %dma_start3A_269 = tpu.memref_slice %arg6[%add3A_266, %dma_start3A_267, %dma_start3A_268] : memref<40x125x16xf32, #tpu.memory_space<vmem>> -> memref<1x125x16xf32, #tpu.memory_space<vmem>>
      %dma_start3A_270 = tpu.memref_squeeze %dma_start3A_269 : memref<1x125x16xf32, #tpu.memory_space<vmem>> -> memref<125x16xf32, #tpu.memory_space<vmem>>
      %dma_start3A_271 = arith.constant 0 : i32
      %dma_start3A_272 = tpu.memref_slice %arg5[%add3A_264, %dma_start3A_271] : memref<40x125xi32, #tpu.memory_space<vmem>> -> memref<1x125xi32, #tpu.memory_space<vmem>>
      %dma_start3A_273 = tpu.memref_squeeze %dma_start3A_272 : memref<1x125xi32, #tpu.memory_space<vmem>> -> memref<125xi32, #tpu.memory_space<vmem>>
      %dma_start3A_274 = arith.constant 0 : i32
      %dma_start3A_275 = arith.constant 0 : i32
      %dma_start3A_276 = tpu.memref_slice %arg2[%dma_start3A_274, %dma_start3A_275] : memref<10000x16xf32, #tpu.memory_space<hbm>> -> memref<10000x16xf32, #tpu.memory_space<hbm>>
      tpu.enqueue_indirect_dma source(%dma_start3A_276 : memref<10000x16xf32, #tpu.memory_space<hbm>>) target(%dma_start3A_270 : memref<125x16xf32, #tpu.memory_space<vmem>>) offsets(%dma_start3A_273 : memref<125xi32, #tpu.memory_space<vmem>>) semaphore(%arg7 : memref<!tpu.dma_semaphore, #tpu.memory_space<semaphore_mem>>)
    }
    %scan3A_246 = arith.constant 20 : i32
    %scan3A_247 = arith.constant 0 : i32
    %scan3A_248 = arith.constant 20 : i32
    %scan3A_249 = arith.constant 20 : i32
    %scan3A_250 = arith.addi %scan3A_248, %scan3A_249 : i32
    %scan3A_251 = arith.constant 1 : i32
    scf.for %scan3A_253 = %scan3A_248 to %scan3A_250 step %scan3A_251  : i32 {
      %dma_wait3A = arith.constant 0 : i32
      %dma_wait3A_254 = arith.constant 0 : i32
      %dma_wait3A_255 = tpu.memref_slice %arg6[%scan3A_253, %dma_wait3A, %dma_wait3A_254] : memref<40x125x16xf32, #tpu.memory_space<vmem>> -> memref<1x125x16xf32, #tpu.memory_space<vmem>>
      %dma_wait3A_256 = tpu.memref_squeeze %dma_wait3A_255 : memref<1x125x16xf32, #tpu.memory_space<vmem>> -> memref<125x16xf32, #tpu.memory_space<vmem>>
      %dma_wait3A_257 = arith.constant 0 : i32
      %dma_wait3A_258 = tpu.memref_slice %arg5[%scan3A_253, %dma_wait3A_257] : memref<40x125xi32, #tpu.memory_space<vmem>> -> memref<1x125xi32, #tpu.memory_space<vmem>>
      %dma_wait3A_259 = tpu.memref_squeeze %dma_wait3A_258 : memref<1x125xi32, #tpu.memory_space<vmem>> -> memref<125xi32, #tpu.memory_space<vmem>>
      %dma_wait3A_260 = arith.constant 0 : i32
      %dma_wait3A_261 = arith.constant 0 : i32
      %dma_wait3A_262 = tpu.memref_slice %arg2[%dma_wait3A_260, %dma_wait3A_261] : memref<10000x16xf32, #tpu.memory_space<hbm>> -> memref<10000x16xf32, #tpu.memory_space<hbm>>
      tpu.wait_indirect_dma semaphore(%arg7 : memref<!tpu.dma_semaphore, #tpu.memory_space<semaphore_mem>>) src(%dma_wait3A_262 : memref<10000x16xf32, #tpu.memory_space<hbm>>) dst(%dma_wait3A_256 : memref<125x16xf32, #tpu.memory_space<vmem>>)
    }
    %scan3A_252 = arith.constant 20 : i32
    "tpu.region"() ({
      %run_scoped3A = tpu.sem_alloc : memref<!tpu.dma_semaphore, #tpu.memory_space<semaphore_mem>>
      %dma_start3A_253 = arith.constant 0 : i32
      %dma_start3A_254 = arith.constant 0 : i32
      %dma_start3A_255 = tpu.memref_slice %arg4[%mul3A_2, %dma_start3A_253, %dma_start3A_254] : memref<1280x125x16xf32, #tpu.memory_space<hbm>> -> memref<40x125x16xf32, #tpu.memory_space<hbm>>
      %dma_start3A_256 = arith.constant 0 : i32
      %dma_start3A_257 = arith.constant 0 : i32
      %dma_start3A_258 = tpu.memref_slice %arg4[%mul3A_2, %dma_start3A_256, %dma_start3A_257] : memref<1280x125x16xf32, #tpu.memory_space<hbm>> -> memref<40x125x16xf32, #tpu.memory_space<hbm>>
      tpu.enqueue_dma source(%arg6 : memref<40x125x16xf32, #tpu.memory_space<vmem>>) target(%dma_start3A_258 : memref<40x125x16xf32, #tpu.memory_space<hbm>>) target_semaphore(%run_scoped3A : memref<!tpu.dma_semaphore, #tpu.memory_space<semaphore_mem>>)
      %dma_wait3A = arith.constant 0 : i32
      %dma_wait3A_259 = arith.constant 0 : i32
      %dma_wait3A_260 = tpu.memref_slice %arg4[%mul3A_2, %dma_wait3A, %dma_wait3A_259] : memref<1280x125x16xf32, #tpu.memory_space<hbm>> -> memref<40x125x16xf32, #tpu.memory_space<hbm>>
      %dma_wait3A_261 = arith.constant 0 : i32
      %dma_wait3A_262 = arith.constant 0 : i32
      %dma_wait3A_263 = tpu.memref_slice %arg4[%mul3A_2, %dma_wait3A_261, %dma_wait3A_262] : memref<1280x125x16xf32, #tpu.memory_space<hbm>> -> memref<40x125x16xf32, #tpu.memory_space<hbm>>
      tpu.wait_dma2 semaphore(%run_scoped3A : memref<!tpu.dma_semaphore, #tpu.memory_space<semaphore_mem>>) src(%arg6 : memref<40x125x16xf32, #tpu.memory_space<vmem>>) dst(%dma_wait3A_263 : memref<40x125x16xf32, #tpu.memory_space<hbm>>)
      tpu.yield
    }) : () -> ()
    return
  }
}

#map = affine_map<(d0, d1) -> (0, 0, 0)>
#map1 = affine_map<(d0, d1) -> (0, 0)>
module attributes {stable_mosaic.version = 14 : i64} {
  func.func @_sc_scatter(%arg0: i32, %arg1: i32, %arg2: memref<1280x125x16xf32, #tpu.memory_space<hbm>>, %arg3: memref<1280x125xi32, #tpu.memory_space<hbm>>, %arg4: memref<10000x16xf32, #tpu.memory_space<hbm>>, %arg5: memref<2x10000x16xf32, #tpu.memory_space<hbm>>, %arg6: memref<40x125xi32, #tpu.memory_space<vmem>>, %arg7: memref<40x125x16xf32, #tpu.memory_space<vmem>>, %arg8: memref<10000x16xf32, #tpu.memory_space<vmem_shared>>, %arg9: memref<!tpu.dma_semaphore, #tpu.memory_space<semaphore_mem>>) attributes {dimension_semantics = [#tpu.dimension_semantics<core_parallel>, #tpu.dimension_semantics<subcore_parallel>], iteration_bounds = array<i64: 2, 16>, scalar_prefetch = 0 : i64, scratch_operands = 4 : i64, tpu.core_type = #tpu.core_type<sc_vector_subcore>, window_params = [{transform_indices = #map}, {transform_indices = #map1}, {transform_indices = #map1}, {transform_indices = #map}]} {
    %mul3A = arith.constant 2 : i32
    %mul3A_0 = arith.muli %arg1, %mul3A : i32
    %add3A = arith.addi %mul3A_0, %arg0 : i32
    %mul3A_1 = arith.constant 40 : i32
    %mul3A_2 = arith.muli %add3A, %mul3A_1 : i32
    %mul3A_3 = arith.constant 625 : i32
    %mul3A_4 = arith.muli %arg1, %mul3A_3 : i32
    "tpu.region"() ({
      %run_scoped3A = tpu.sem_alloc : memref<!tpu.dma_semaphore, #tpu.memory_space<semaphore_mem>>
      %dma_start3A_256 = arith.constant 0 : i32
      %dma_start3A_257 = tpu.memref_slice %arg8[%mul3A_4, %dma_start3A_256] : memref<10000x16xf32, #tpu.memory_space<vmem_shared>> -> memref<625x16xf32, #tpu.memory_space<vmem_shared>>
      %dma_start3A_258 = arith.constant 0 : i32
      %dma_start3A_259 = tpu.memref_slice %arg4[%mul3A_4, %dma_start3A_258] : memref<10000x16xf32, #tpu.memory_space<hbm>> -> memref<625x16xf32, #tpu.memory_space<hbm>>
      tpu.enqueue_dma source(%dma_start3A_259 : memref<625x16xf32, #tpu.memory_space<hbm>>) target(%dma_start3A_257 : memref<625x16xf32, #tpu.memory_space<vmem_shared>>) target_semaphore(%run_scoped3A : memref<!tpu.dma_semaphore, #tpu.memory_space<semaphore_mem>>)
      %dma_wait3A = arith.constant 0 : i32
      %dma_wait3A_260 = tpu.memref_slice %arg8[%mul3A_4, %dma_wait3A] : memref<10000x16xf32, #tpu.memory_space<vmem_shared>> -> memref<625x16xf32, #tpu.memory_space<vmem_shared>>
      %dma_wait3A_261 = arith.constant 0 : i32
      %dma_wait3A_262 = tpu.memref_slice %arg4[%mul3A_4, %dma_wait3A_261] : memref<10000x16xf32, #tpu.memory_space<hbm>> -> memref<625x16xf32, #tpu.memory_space<hbm>>
      tpu.wait_dma2 semaphore(%run_scoped3A : memref<!tpu.dma_semaphore, #tpu.memory_space<semaphore_mem>>) src(%dma_wait3A_262 : memref<625x16xf32, #tpu.memory_space<hbm>>) dst(%dma_wait3A_260 : memref<625x16xf32, #tpu.memory_space<vmem_shared>>)
      tpu.yield
    }) : () -> ()
    "tpu.region"() ({
      %run_scoped3A = tpu.sem_alloc : memref<!tpu.dma_semaphore, #tpu.memory_space<semaphore_mem>>
      %dma_start3A_256 = arith.constant 0 : i32
      %dma_start3A_257 = tpu.memref_slice %arg3[%mul3A_2, %dma_start3A_256] : memref<1280x125xi32, #tpu.memory_space<hbm>> -> memref<40x125xi32, #tpu.memory_space<hbm>>
      %dma_start3A_258 = arith.constant 0 : i32
      %dma_start3A_259 = tpu.memref_slice %arg3[%mul3A_2, %dma_start3A_258] : memref<1280x125xi32, #tpu.memory_space<hbm>> -> memref<40x125xi32, #tpu.memory_space<hbm>>
      tpu.enqueue_dma source(%dma_start3A_259 : memref<40x125xi32, #tpu.memory_space<hbm>>) target(%arg6 : memref<40x125xi32, #tpu.memory_space<vmem>>) target_semaphore(%run_scoped3A : memref<!tpu.dma_semaphore, #tpu.memory_space<semaphore_mem>>)
      %dma_wait3A = arith.constant 0 : i32
      %dma_wait3A_260 = tpu.memref_slice %arg3[%mul3A_2, %dma_wait3A] : memref<1280x125xi32, #tpu.memory_space<hbm>> -> memref<40x125xi32, #tpu.memory_space<hbm>>
      %dma_wait3A_261 = arith.constant 0 : i32
      %dma_wait3A_262 = tpu.memref_slice %arg3[%mul3A_2, %dma_wait3A_261] : memref<1280x125xi32, #tpu.memory_space<hbm>> -> memref<40x125xi32, #tpu.memory_space<hbm>>
      tpu.wait_dma2 semaphore(%run_scoped3A : memref<!tpu.dma_semaphore, #tpu.memory_space<semaphore_mem>>) src(%dma_wait3A_262 : memref<40x125xi32, #tpu.memory_space<hbm>>) dst(%arg6 : memref<40x125xi32, #tpu.memory_space<vmem>>)
      tpu.yield
    }) : () -> ()
    "tpu.region"() ({
      %run_scoped3A = tpu.sem_alloc : memref<!tpu.dma_semaphore, #tpu.memory_space<semaphore_mem>>
      %dma_start3A_256 = arith.constant 0 : i32
      %dma_start3A_257 = arith.constant 0 : i32
      %dma_start3A_258 = tpu.memref_slice %arg2[%mul3A_2, %dma_start3A_256, %dma_start3A_257] : memref<1280x125x16xf32, #tpu.memory_space<hbm>> -> memref<40x125x16xf32, #tpu.memory_space<hbm>>
      %dma_start3A_259 = arith.constant 0 : i32
      %dma_start3A_260 = arith.constant 0 : i32
      %dma_start3A_261 = tpu.memref_slice %arg2[%mul3A_2, %dma_start3A_259, %dma_start3A_260] : memref<1280x125x16xf32, #tpu.memory_space<hbm>> -> memref<40x125x16xf32, #tpu.memory_space<hbm>>
      tpu.enqueue_dma source(%dma_start3A_261 : memref<40x125x16xf32, #tpu.memory_space<hbm>>) target(%arg7 : memref<40x125x16xf32, #tpu.memory_space<vmem>>) target_semaphore(%run_scoped3A : memref<!tpu.dma_semaphore, #tpu.memory_space<semaphore_mem>>)
      %dma_wait3A = arith.constant 0 : i32
      %dma_wait3A_262 = arith.constant 0 : i32
      %dma_wait3A_263 = tpu.memref_slice %arg2[%mul3A_2, %dma_wait3A, %dma_wait3A_262] : memref<1280x125x16xf32, #tpu.memory_space<hbm>> -> memref<40x125x16xf32, #tpu.memory_space<hbm>>
      %dma_wait3A_264 = arith.constant 0 : i32
      %dma_wait3A_265 = arith.constant 0 : i32
      %dma_wait3A_266 = tpu.memref_slice %arg2[%mul3A_2, %dma_wait3A_264, %dma_wait3A_265] : memref<1280x125x16xf32, #tpu.memory_space<hbm>> -> memref<40x125x16xf32, #tpu.memory_space<hbm>>
      tpu.wait_dma2 semaphore(%run_scoped3A : memref<!tpu.dma_semaphore, #tpu.memory_space<semaphore_mem>>) src(%dma_wait3A_266 : memref<40x125x16xf32, #tpu.memory_space<hbm>>) dst(%arg7 : memref<40x125x16xf32, #tpu.memory_space<vmem>>)
      tpu.yield
    }) : () -> ()
    %barrier3A = arith.constant 0 : index
    tpu.barrier barrier_id(%barrier3A)
    %dma_start3A = arith.constant 0 : i32
    %dma_start3A_5 = arith.constant 0 : i32
    %dma_start3A_6 = arith.constant 0 : i32
    %dma_start3A_7 = arith.constant 0 : i32
    %dma_start3A_8 = tpu.memref_slice %arg7[%dma_start3A, %dma_start3A_6, %dma_start3A_7] : memref<40x125x16xf32, #tpu.memory_space<vmem>> -> memref<1x125x16xf32, #tpu.memory_space<vmem>>
    %dma_start3A_9 = tpu.memref_squeeze %dma_start3A_8 : memref<1x125x16xf32, #tpu.memory_space<vmem>> -> memref<125x16xf32, #tpu.memory_space<vmem>>
    %dma_start3A_10 = arith.constant 0 : i32
    %dma_start3A_11 = tpu.memref_slice %arg6[%dma_start3A_5, %dma_start3A_10] : memref<40x125xi32, #tpu.memory_space<vmem>> -> memref<1x125xi32, #tpu.memory_space<vmem>>
    %dma_start3A_12 = tpu.memref_squeeze %dma_start3A_11 : memref<1x125xi32, #tpu.memory_space<vmem>> -> memref<125xi32, #tpu.memory_space<vmem>>
    %dma_start3A_13 = arith.constant 0 : i32
    %dma_start3A_14 = arith.constant 0 : i32
    %dma_start3A_15 = tpu.memref_slice %arg8[%dma_start3A_13, %dma_start3A_14] : memref<10000x16xf32, #tpu.memory_space<vmem_shared>> -> memref<10000x16xf32, #tpu.memory_space<vmem_shared>>
    tpu.enqueue_indirect_dma source(%dma_start3A_9 : memref<125x16xf32, #tpu.memory_space<vmem>>) target(%dma_start3A_15 : memref<10000x16xf32, #tpu.memory_space<vmem_shared>>) offsets(%dma_start3A_12 : memref<125xi32, #tpu.memory_space<vmem>>) semaphore(%arg9 : memref<!tpu.dma_semaphore, #tpu.memory_space<semaphore_mem>>) {add = true}
    %dma_start3A_16 = arith.constant 1 : i32
    %dma_start3A_17 = arith.constant 1 : i32
    %dma_start3A_18 = arith.constant 0 : i32
    %dma_start3A_19 = arith.constant 0 : i32
    %dma_start3A_20 = tpu.memref_slice %arg7[%dma_start3A_16, %dma_start3A_18, %dma_start3A_19] : memref<40x125x16xf32, #tpu.memory_space<vmem>> -> memref<1x125x16xf32, #tpu.memory_space<vmem>>
    %dma_start3A_21 = tpu.memref_squeeze %dma_start3A_20 : memref<1x125x16xf32, #tpu.memory_space<vmem>> -> memref<125x16xf32, #tpu.memory_space<vmem>>
    %dma_start3A_22 = arith.constant 0 : i32
    %dma_start3A_23 = tpu.memref_slice %arg6[%dma_start3A_17, %dma_start3A_22] : memref<40x125xi32, #tpu.memory_space<vmem>> -> memref<1x125xi32, #tpu.memory_space<vmem>>
    %dma_start3A_24 = tpu.memref_squeeze %dma_start3A_23 : memref<1x125xi32, #tpu.memory_space<vmem>> -> memref<125xi32, #tpu.memory_space<vmem>>
    %dma_start3A_25 = arith.constant 0 : i32
    %dma_start3A_26 = arith.constant 0 : i32
    %dma_start3A_27 = tpu.memref_slice %arg8[%dma_start3A_25, %dma_start3A_26] : memref<10000x16xf32, #tpu.memory_space<vmem_shared>> -> memref<10000x16xf32, #tpu.memory_space<vmem_shared>>
    tpu.enqueue_indirect_dma source(%dma_start3A_21 : memref<125x16xf32, #tpu.memory_space<vmem>>) target(%dma_start3A_27 : memref<10000x16xf32, #tpu.memory_space<vmem_shared>>) offsets(%dma_start3A_24 : memref<125xi32, #tpu.memory_space<vmem>>) semaphore(%arg9 : memref<!tpu.dma_semaphore, #tpu.memory_space<semaphore_mem>>) {add = true}
    %dma_start3A_28 = arith.constant 2 : i32
    %dma_start3A_29 = arith.constant 2 : i32
    %dma_start3A_30 = arith.constant 0 : i32
    %dma_start3A_31 = arith.constant 0 : i32
    %dma_start3A_32 = tpu.memref_slice %arg7[%dma_start3A_28, %dma_start3A_30, %dma_start3A_31] : memref<40x125x16xf32, #tpu.memory_space<vmem>> -> memref<1x125x16xf32, #tpu.memory_space<vmem>>
    %dma_start3A_33 = tpu.memref_squeeze %dma_start3A_32 : memref<1x125x16xf32, #tpu.memory_space<vmem>> -> memref<125x16xf32, #tpu.memory_space<vmem>>
    %dma_start3A_34 = arith.constant 0 : i32
    %dma_start3A_35 = tpu.memref_slice %arg6[%dma_start3A_29, %dma_start3A_34] : memref<40x125xi32, #tpu.memory_space<vmem>> -> memref<1x125xi32, #tpu.memory_space<vmem>>
    %dma_start3A_36 = tpu.memref_squeeze %dma_start3A_35 : memref<1x125xi32, #tpu.memory_space<vmem>> -> memref<125xi32, #tpu.memory_space<vmem>>
    %dma_start3A_37 = arith.constant 0 : i32
    %dma_start3A_38 = arith.constant 0 : i32
    %dma_start3A_39 = tpu.memref_slice %arg8[%dma_start3A_37, %dma_start3A_38] : memref<10000x16xf32, #tpu.memory_space<vmem_shared>> -> memref<10000x16xf32, #tpu.memory_space<vmem_shared>>
    tpu.enqueue_indirect_dma source(%dma_start3A_33 : memref<125x16xf32, #tpu.memory_space<vmem>>) target(%dma_start3A_39 : memref<10000x16xf32, #tpu.memory_space<vmem_shared>>) offsets(%dma_start3A_36 : memref<125xi32, #tpu.memory_space<vmem>>) semaphore(%arg9 : memref<!tpu.dma_semaphore, #tpu.memory_space<semaphore_mem>>) {add = true}
    %dma_start3A_40 = arith.constant 3 : i32
    %dma_start3A_41 = arith.constant 3 : i32
    %dma_start3A_42 = arith.constant 0 : i32
    %dma_start3A_43 = arith.constant 0 : i32
    %dma_start3A_44 = tpu.memref_slice %arg7[%dma_start3A_40, %dma_start3A_42, %dma_start3A_43] : memref<40x125x16xf32, #tpu.memory_space<vmem>> -> memref<1x125x16xf32, #tpu.memory_space<vmem>>
    %dma_start3A_45 = tpu.memref_squeeze %dma_start3A_44 : memref<1x125x16xf32, #tpu.memory_space<vmem>> -> memref<125x16xf32, #tpu.memory_space<vmem>>
    %dma_start3A_46 = arith.constant 0 : i32
    %dma_start3A_47 = tpu.memref_slice %arg6[%dma_start3A_41, %dma_start3A_46] : memref<40x125xi32, #tpu.memory_space<vmem>> -> memref<1x125xi32, #tpu.memory_space<vmem>>
    %dma_start3A_48 = tpu.memref_squeeze %dma_start3A_47 : memref<1x125xi32, #tpu.memory_space<vmem>> -> memref<125xi32, #tpu.memory_space<vmem>>
    %dma_start3A_49 = arith.constant 0 : i32
    %dma_start3A_50 = arith.constant 0 : i32
    %dma_start3A_51 = tpu.memref_slice %arg8[%dma_start3A_49, %dma_start3A_50] : memref<10000x16xf32, #tpu.memory_space<vmem_shared>> -> memref<10000x16xf32, #tpu.memory_space<vmem_shared>>
    tpu.enqueue_indirect_dma source(%dma_start3A_45 : memref<125x16xf32, #tpu.memory_space<vmem>>) target(%dma_start3A_51 : memref<10000x16xf32, #tpu.memory_space<vmem_shared>>) offsets(%dma_start3A_48 : memref<125xi32, #tpu.memory_space<vmem>>) semaphore(%arg9 : memref<!tpu.dma_semaphore, #tpu.memory_space<semaphore_mem>>) {add = true}
    %dma_start3A_52 = arith.constant 4 : i32
    %dma_start3A_53 = arith.constant 4 : i32
    %dma_start3A_54 = arith.constant 0 : i32
    %dma_start3A_55 = arith.constant 0 : i32
    %dma_start3A_56 = tpu.memref_slice %arg7[%dma_start3A_52, %dma_start3A_54, %dma_start3A_55] : memref<40x125x16xf32, #tpu.memory_space<vmem>> -> memref<1x125x16xf32, #tpu.memory_space<vmem>>
    %dma_start3A_57 = tpu.memref_squeeze %dma_start3A_56 : memref<1x125x16xf32, #tpu.memory_space<vmem>> -> memref<125x16xf32, #tpu.memory_space<vmem>>
    %dma_start3A_58 = arith.constant 0 : i32
    %dma_start3A_59 = tpu.memref_slice %arg6[%dma_start3A_53, %dma_start3A_58] : memref<40x125xi32, #tpu.memory_space<vmem>> -> memref<1x125xi32, #tpu.memory_space<vmem>>
    %dma_start3A_60 = tpu.memref_squeeze %dma_start3A_59 : memref<1x125xi32, #tpu.memory_space<vmem>> -> memref<125xi32, #tpu.memory_space<vmem>>
    %dma_start3A_61 = arith.constant 0 : i32
    %dma_start3A_62 = arith.constant 0 : i32
    %dma_start3A_63 = tpu.memref_slice %arg8[%dma_start3A_61, %dma_start3A_62] : memref<10000x16xf32, #tpu.memory_space<vmem_shared>> -> memref<10000x16xf32, #tpu.memory_space<vmem_shared>>
    tpu.enqueue_indirect_dma source(%dma_start3A_57 : memref<125x16xf32, #tpu.memory_space<vmem>>) target(%dma_start3A_63 : memref<10000x16xf32, #tpu.memory_space<vmem_shared>>) offsets(%dma_start3A_60 : memref<125xi32, #tpu.memory_space<vmem>>) semaphore(%arg9 : memref<!tpu.dma_semaphore, #tpu.memory_space<semaphore_mem>>) {add = true}
    %dma_start3A_64 = arith.constant 5 : i32
    %dma_start3A_65 = arith.constant 5 : i32
    %dma_start3A_66 = arith.constant 0 : i32
    %dma_start3A_67 = arith.constant 0 : i32
    %dma_start3A_68 = tpu.memref_slice %arg7[%dma_start3A_64, %dma_start3A_66, %dma_start3A_67] : memref<40x125x16xf32, #tpu.memory_space<vmem>> -> memref<1x125x16xf32, #tpu.memory_space<vmem>>
    %dma_start3A_69 = tpu.memref_squeeze %dma_start3A_68 : memref<1x125x16xf32, #tpu.memory_space<vmem>> -> memref<125x16xf32, #tpu.memory_space<vmem>>
    %dma_start3A_70 = arith.constant 0 : i32
    %dma_start3A_71 = tpu.memref_slice %arg6[%dma_start3A_65, %dma_start3A_70] : memref<40x125xi32, #tpu.memory_space<vmem>> -> memref<1x125xi32, #tpu.memory_space<vmem>>
    %dma_start3A_72 = tpu.memref_squeeze %dma_start3A_71 : memref<1x125xi32, #tpu.memory_space<vmem>> -> memref<125xi32, #tpu.memory_space<vmem>>
    %dma_start3A_73 = arith.constant 0 : i32
    %dma_start3A_74 = arith.constant 0 : i32
    %dma_start3A_75 = tpu.memref_slice %arg8[%dma_start3A_73, %dma_start3A_74] : memref<10000x16xf32, #tpu.memory_space<vmem_shared>> -> memref<10000x16xf32, #tpu.memory_space<vmem_shared>>
    tpu.enqueue_indirect_dma source(%dma_start3A_69 : memref<125x16xf32, #tpu.memory_space<vmem>>) target(%dma_start3A_75 : memref<10000x16xf32, #tpu.memory_space<vmem_shared>>) offsets(%dma_start3A_72 : memref<125xi32, #tpu.memory_space<vmem>>) semaphore(%arg9 : memref<!tpu.dma_semaphore, #tpu.memory_space<semaphore_mem>>) {add = true}
    %dma_start3A_76 = arith.constant 6 : i32
    %dma_start3A_77 = arith.constant 6 : i32
    %dma_start3A_78 = arith.constant 0 : i32
    %dma_start3A_79 = arith.constant 0 : i32
    %dma_start3A_80 = tpu.memref_slice %arg7[%dma_start3A_76, %dma_start3A_78, %dma_start3A_79] : memref<40x125x16xf32, #tpu.memory_space<vmem>> -> memref<1x125x16xf32, #tpu.memory_space<vmem>>
    %dma_start3A_81 = tpu.memref_squeeze %dma_start3A_80 : memref<1x125x16xf32, #tpu.memory_space<vmem>> -> memref<125x16xf32, #tpu.memory_space<vmem>>
    %dma_start3A_82 = arith.constant 0 : i32
    %dma_start3A_83 = tpu.memref_slice %arg6[%dma_start3A_77, %dma_start3A_82] : memref<40x125xi32, #tpu.memory_space<vmem>> -> memref<1x125xi32, #tpu.memory_space<vmem>>
    %dma_start3A_84 = tpu.memref_squeeze %dma_start3A_83 : memref<1x125xi32, #tpu.memory_space<vmem>> -> memref<125xi32, #tpu.memory_space<vmem>>
    %dma_start3A_85 = arith.constant 0 : i32
    %dma_start3A_86 = arith.constant 0 : i32
    %dma_start3A_87 = tpu.memref_slice %arg8[%dma_start3A_85, %dma_start3A_86] : memref<10000x16xf32, #tpu.memory_space<vmem_shared>> -> memref<10000x16xf32, #tpu.memory_space<vmem_shared>>
    tpu.enqueue_indirect_dma source(%dma_start3A_81 : memref<125x16xf32, #tpu.memory_space<vmem>>) target(%dma_start3A_87 : memref<10000x16xf32, #tpu.memory_space<vmem_shared>>) offsets(%dma_start3A_84 : memref<125xi32, #tpu.memory_space<vmem>>) semaphore(%arg9 : memref<!tpu.dma_semaphore, #tpu.memory_space<semaphore_mem>>) {add = true}
    %dma_start3A_88 = arith.constant 7 : i32
    %dma_start3A_89 = arith.constant 7 : i32
    %dma_start3A_90 = arith.constant 0 : i32
    %dma_start3A_91 = arith.constant 0 : i32
    %dma_start3A_92 = tpu.memref_slice %arg7[%dma_start3A_88, %dma_start3A_90, %dma_start3A_91] : memref<40x125x16xf32, #tpu.memory_space<vmem>> -> memref<1x125x16xf32, #tpu.memory_space<vmem>>
    %dma_start3A_93 = tpu.memref_squeeze %dma_start3A_92 : memref<1x125x16xf32, #tpu.memory_space<vmem>> -> memref<125x16xf32, #tpu.memory_space<vmem>>
    %dma_start3A_94 = arith.constant 0 : i32
    %dma_start3A_95 = tpu.memref_slice %arg6[%dma_start3A_89, %dma_start3A_94] : memref<40x125xi32, #tpu.memory_space<vmem>> -> memref<1x125xi32, #tpu.memory_space<vmem>>
    %dma_start3A_96 = tpu.memref_squeeze %dma_start3A_95 : memref<1x125xi32, #tpu.memory_space<vmem>> -> memref<125xi32, #tpu.memory_space<vmem>>
    %dma_start3A_97 = arith.constant 0 : i32
    %dma_start3A_98 = arith.constant 0 : i32
    %dma_start3A_99 = tpu.memref_slice %arg8[%dma_start3A_97, %dma_start3A_98] : memref<10000x16xf32, #tpu.memory_space<vmem_shared>> -> memref<10000x16xf32, #tpu.memory_space<vmem_shared>>
    tpu.enqueue_indirect_dma source(%dma_start3A_93 : memref<125x16xf32, #tpu.memory_space<vmem>>) target(%dma_start3A_99 : memref<10000x16xf32, #tpu.memory_space<vmem_shared>>) offsets(%dma_start3A_96 : memref<125xi32, #tpu.memory_space<vmem>>) semaphore(%arg9 : memref<!tpu.dma_semaphore, #tpu.memory_space<semaphore_mem>>) {add = true}
    %dma_start3A_100 = arith.constant 8 : i32
    %dma_start3A_101 = arith.constant 8 : i32
    %dma_start3A_102 = arith.constant 0 : i32
    %dma_start3A_103 = arith.constant 0 : i32
    %dma_start3A_104 = tpu.memref_slice %arg7[%dma_start3A_100, %dma_start3A_102, %dma_start3A_103] : memref<40x125x16xf32, #tpu.memory_space<vmem>> -> memref<1x125x16xf32, #tpu.memory_space<vmem>>
    %dma_start3A_105 = tpu.memref_squeeze %dma_start3A_104 : memref<1x125x16xf32, #tpu.memory_space<vmem>> -> memref<125x16xf32, #tpu.memory_space<vmem>>
    %dma_start3A_106 = arith.constant 0 : i32
    %dma_start3A_107 = tpu.memref_slice %arg6[%dma_start3A_101, %dma_start3A_106] : memref<40x125xi32, #tpu.memory_space<vmem>> -> memref<1x125xi32, #tpu.memory_space<vmem>>
    %dma_start3A_108 = tpu.memref_squeeze %dma_start3A_107 : memref<1x125xi32, #tpu.memory_space<vmem>> -> memref<125xi32, #tpu.memory_space<vmem>>
    %dma_start3A_109 = arith.constant 0 : i32
    %dma_start3A_110 = arith.constant 0 : i32
    %dma_start3A_111 = tpu.memref_slice %arg8[%dma_start3A_109, %dma_start3A_110] : memref<10000x16xf32, #tpu.memory_space<vmem_shared>> -> memref<10000x16xf32, #tpu.memory_space<vmem_shared>>
    tpu.enqueue_indirect_dma source(%dma_start3A_105 : memref<125x16xf32, #tpu.memory_space<vmem>>) target(%dma_start3A_111 : memref<10000x16xf32, #tpu.memory_space<vmem_shared>>) offsets(%dma_start3A_108 : memref<125xi32, #tpu.memory_space<vmem>>) semaphore(%arg9 : memref<!tpu.dma_semaphore, #tpu.memory_space<semaphore_mem>>) {add = true}
    %dma_start3A_112 = arith.constant 9 : i32
    %dma_start3A_113 = arith.constant 9 : i32
    %dma_start3A_114 = arith.constant 0 : i32
    %dma_start3A_115 = arith.constant 0 : i32
    %dma_start3A_116 = tpu.memref_slice %arg7[%dma_start3A_112, %dma_start3A_114, %dma_start3A_115] : memref<40x125x16xf32, #tpu.memory_space<vmem>> -> memref<1x125x16xf32, #tpu.memory_space<vmem>>
    %dma_start3A_117 = tpu.memref_squeeze %dma_start3A_116 : memref<1x125x16xf32, #tpu.memory_space<vmem>> -> memref<125x16xf32, #tpu.memory_space<vmem>>
    %dma_start3A_118 = arith.constant 0 : i32
    %dma_start3A_119 = tpu.memref_slice %arg6[%dma_start3A_113, %dma_start3A_118] : memref<40x125xi32, #tpu.memory_space<vmem>> -> memref<1x125xi32, #tpu.memory_space<vmem>>
    %dma_start3A_120 = tpu.memref_squeeze %dma_start3A_119 : memref<1x125xi32, #tpu.memory_space<vmem>> -> memref<125xi32, #tpu.memory_space<vmem>>
    %dma_start3A_121 = arith.constant 0 : i32
    %dma_start3A_122 = arith.constant 0 : i32
    %dma_start3A_123 = tpu.memref_slice %arg8[%dma_start3A_121, %dma_start3A_122] : memref<10000x16xf32, #tpu.memory_space<vmem_shared>> -> memref<10000x16xf32, #tpu.memory_space<vmem_shared>>
    tpu.enqueue_indirect_dma source(%dma_start3A_117 : memref<125x16xf32, #tpu.memory_space<vmem>>) target(%dma_start3A_123 : memref<10000x16xf32, #tpu.memory_space<vmem_shared>>) offsets(%dma_start3A_120 : memref<125xi32, #tpu.memory_space<vmem>>) semaphore(%arg9 : memref<!tpu.dma_semaphore, #tpu.memory_space<semaphore_mem>>) {add = true}
    %dma_start3A_124 = arith.constant 10 : i32
    %dma_start3A_125 = arith.constant 10 : i32
    %dma_start3A_126 = arith.constant 0 : i32
    %dma_start3A_127 = arith.constant 0 : i32
    %dma_start3A_128 = tpu.memref_slice %arg7[%dma_start3A_124, %dma_start3A_126, %dma_start3A_127] : memref<40x125x16xf32, #tpu.memory_space<vmem>> -> memref<1x125x16xf32, #tpu.memory_space<vmem>>
    %dma_start3A_129 = tpu.memref_squeeze %dma_start3A_128 : memref<1x125x16xf32, #tpu.memory_space<vmem>> -> memref<125x16xf32, #tpu.memory_space<vmem>>
    %dma_start3A_130 = arith.constant 0 : i32
    %dma_start3A_131 = tpu.memref_slice %arg6[%dma_start3A_125, %dma_start3A_130] : memref<40x125xi32, #tpu.memory_space<vmem>> -> memref<1x125xi32, #tpu.memory_space<vmem>>
    %dma_start3A_132 = tpu.memref_squeeze %dma_start3A_131 : memref<1x125xi32, #tpu.memory_space<vmem>> -> memref<125xi32, #tpu.memory_space<vmem>>
    %dma_start3A_133 = arith.constant 0 : i32
    %dma_start3A_134 = arith.constant 0 : i32
    %dma_start3A_135 = tpu.memref_slice %arg8[%dma_start3A_133, %dma_start3A_134] : memref<10000x16xf32, #tpu.memory_space<vmem_shared>> -> memref<10000x16xf32, #tpu.memory_space<vmem_shared>>
    tpu.enqueue_indirect_dma source(%dma_start3A_129 : memref<125x16xf32, #tpu.memory_space<vmem>>) target(%dma_start3A_135 : memref<10000x16xf32, #tpu.memory_space<vmem_shared>>) offsets(%dma_start3A_132 : memref<125xi32, #tpu.memory_space<vmem>>) semaphore(%arg9 : memref<!tpu.dma_semaphore, #tpu.memory_space<semaphore_mem>>) {add = true}
    %dma_start3A_136 = arith.constant 11 : i32
    %dma_start3A_137 = arith.constant 11 : i32
    %dma_start3A_138 = arith.constant 0 : i32
    %dma_start3A_139 = arith.constant 0 : i32
    %dma_start3A_140 = tpu.memref_slice %arg7[%dma_start3A_136, %dma_start3A_138, %dma_start3A_139] : memref<40x125x16xf32, #tpu.memory_space<vmem>> -> memref<1x125x16xf32, #tpu.memory_space<vmem>>
    %dma_start3A_141 = tpu.memref_squeeze %dma_start3A_140 : memref<1x125x16xf32, #tpu.memory_space<vmem>> -> memref<125x16xf32, #tpu.memory_space<vmem>>
    %dma_start3A_142 = arith.constant 0 : i32
    %dma_start3A_143 = tpu.memref_slice %arg6[%dma_start3A_137, %dma_start3A_142] : memref<40x125xi32, #tpu.memory_space<vmem>> -> memref<1x125xi32, #tpu.memory_space<vmem>>
    %dma_start3A_144 = tpu.memref_squeeze %dma_start3A_143 : memref<1x125xi32, #tpu.memory_space<vmem>> -> memref<125xi32, #tpu.memory_space<vmem>>
    %dma_start3A_145 = arith.constant 0 : i32
    %dma_start3A_146 = arith.constant 0 : i32
    %dma_start3A_147 = tpu.memref_slice %arg8[%dma_start3A_145, %dma_start3A_146] : memref<10000x16xf32, #tpu.memory_space<vmem_shared>> -> memref<10000x16xf32, #tpu.memory_space<vmem_shared>>
    tpu.enqueue_indirect_dma source(%dma_start3A_141 : memref<125x16xf32, #tpu.memory_space<vmem>>) target(%dma_start3A_147 : memref<10000x16xf32, #tpu.memory_space<vmem_shared>>) offsets(%dma_start3A_144 : memref<125xi32, #tpu.memory_space<vmem>>) semaphore(%arg9 : memref<!tpu.dma_semaphore, #tpu.memory_space<semaphore_mem>>) {add = true}
    %dma_start3A_148 = arith.constant 12 : i32
    %dma_start3A_149 = arith.constant 12 : i32
    %dma_start3A_150 = arith.constant 0 : i32
    %dma_start3A_151 = arith.constant 0 : i32
    %dma_start3A_152 = tpu.memref_slice %arg7[%dma_start3A_148, %dma_start3A_150, %dma_start3A_151] : memref<40x125x16xf32, #tpu.memory_space<vmem>> -> memref<1x125x16xf32, #tpu.memory_space<vmem>>
    %dma_start3A_153 = tpu.memref_squeeze %dma_start3A_152 : memref<1x125x16xf32, #tpu.memory_space<vmem>> -> memref<125x16xf32, #tpu.memory_space<vmem>>
    %dma_start3A_154 = arith.constant 0 : i32
    %dma_start3A_155 = tpu.memref_slice %arg6[%dma_start3A_149, %dma_start3A_154] : memref<40x125xi32, #tpu.memory_space<vmem>> -> memref<1x125xi32, #tpu.memory_space<vmem>>
    %dma_start3A_156 = tpu.memref_squeeze %dma_start3A_155 : memref<1x125xi32, #tpu.memory_space<vmem>> -> memref<125xi32, #tpu.memory_space<vmem>>
    %dma_start3A_157 = arith.constant 0 : i32
    %dma_start3A_158 = arith.constant 0 : i32
    %dma_start3A_159 = tpu.memref_slice %arg8[%dma_start3A_157, %dma_start3A_158] : memref<10000x16xf32, #tpu.memory_space<vmem_shared>> -> memref<10000x16xf32, #tpu.memory_space<vmem_shared>>
    tpu.enqueue_indirect_dma source(%dma_start3A_153 : memref<125x16xf32, #tpu.memory_space<vmem>>) target(%dma_start3A_159 : memref<10000x16xf32, #tpu.memory_space<vmem_shared>>) offsets(%dma_start3A_156 : memref<125xi32, #tpu.memory_space<vmem>>) semaphore(%arg9 : memref<!tpu.dma_semaphore, #tpu.memory_space<semaphore_mem>>) {add = true}
    %dma_start3A_160 = arith.constant 13 : i32
    %dma_start3A_161 = arith.constant 13 : i32
    %dma_start3A_162 = arith.constant 0 : i32
    %dma_start3A_163 = arith.constant 0 : i32
    %dma_start3A_164 = tpu.memref_slice %arg7[%dma_start3A_160, %dma_start3A_162, %dma_start3A_163] : memref<40x125x16xf32, #tpu.memory_space<vmem>> -> memref<1x125x16xf32, #tpu.memory_space<vmem>>
    %dma_start3A_165 = tpu.memref_squeeze %dma_start3A_164 : memref<1x125x16xf32, #tpu.memory_space<vmem>> -> memref<125x16xf32, #tpu.memory_space<vmem>>
    %dma_start3A_166 = arith.constant 0 : i32
    %dma_start3A_167 = tpu.memref_slice %arg6[%dma_start3A_161, %dma_start3A_166] : memref<40x125xi32, #tpu.memory_space<vmem>> -> memref<1x125xi32, #tpu.memory_space<vmem>>
    %dma_start3A_168 = tpu.memref_squeeze %dma_start3A_167 : memref<1x125xi32, #tpu.memory_space<vmem>> -> memref<125xi32, #tpu.memory_space<vmem>>
    %dma_start3A_169 = arith.constant 0 : i32
    %dma_start3A_170 = arith.constant 0 : i32
    %dma_start3A_171 = tpu.memref_slice %arg8[%dma_start3A_169, %dma_start3A_170] : memref<10000x16xf32, #tpu.memory_space<vmem_shared>> -> memref<10000x16xf32, #tpu.memory_space<vmem_shared>>
    tpu.enqueue_indirect_dma source(%dma_start3A_165 : memref<125x16xf32, #tpu.memory_space<vmem>>) target(%dma_start3A_171 : memref<10000x16xf32, #tpu.memory_space<vmem_shared>>) offsets(%dma_start3A_168 : memref<125xi32, #tpu.memory_space<vmem>>) semaphore(%arg9 : memref<!tpu.dma_semaphore, #tpu.memory_space<semaphore_mem>>) {add = true}
    %dma_start3A_172 = arith.constant 14 : i32
    %dma_start3A_173 = arith.constant 14 : i32
    %dma_start3A_174 = arith.constant 0 : i32
    %dma_start3A_175 = arith.constant 0 : i32
    %dma_start3A_176 = tpu.memref_slice %arg7[%dma_start3A_172, %dma_start3A_174, %dma_start3A_175] : memref<40x125x16xf32, #tpu.memory_space<vmem>> -> memref<1x125x16xf32, #tpu.memory_space<vmem>>
    %dma_start3A_177 = tpu.memref_squeeze %dma_start3A_176 : memref<1x125x16xf32, #tpu.memory_space<vmem>> -> memref<125x16xf32, #tpu.memory_space<vmem>>
    %dma_start3A_178 = arith.constant 0 : i32
    %dma_start3A_179 = tpu.memref_slice %arg6[%dma_start3A_173, %dma_start3A_178] : memref<40x125xi32, #tpu.memory_space<vmem>> -> memref<1x125xi32, #tpu.memory_space<vmem>>
    %dma_start3A_180 = tpu.memref_squeeze %dma_start3A_179 : memref<1x125xi32, #tpu.memory_space<vmem>> -> memref<125xi32, #tpu.memory_space<vmem>>
    %dma_start3A_181 = arith.constant 0 : i32
    %dma_start3A_182 = arith.constant 0 : i32
    %dma_start3A_183 = tpu.memref_slice %arg8[%dma_start3A_181, %dma_start3A_182] : memref<10000x16xf32, #tpu.memory_space<vmem_shared>> -> memref<10000x16xf32, #tpu.memory_space<vmem_shared>>
    tpu.enqueue_indirect_dma source(%dma_start3A_177 : memref<125x16xf32, #tpu.memory_space<vmem>>) target(%dma_start3A_183 : memref<10000x16xf32, #tpu.memory_space<vmem_shared>>) offsets(%dma_start3A_180 : memref<125xi32, #tpu.memory_space<vmem>>) semaphore(%arg9 : memref<!tpu.dma_semaphore, #tpu.memory_space<semaphore_mem>>) {add = true}
    %dma_start3A_184 = arith.constant 15 : i32
    %dma_start3A_185 = arith.constant 15 : i32
    %dma_start3A_186 = arith.constant 0 : i32
    %dma_start3A_187 = arith.constant 0 : i32
    %dma_start3A_188 = tpu.memref_slice %arg7[%dma_start3A_184, %dma_start3A_186, %dma_start3A_187] : memref<40x125x16xf32, #tpu.memory_space<vmem>> -> memref<1x125x16xf32, #tpu.memory_space<vmem>>
    %dma_start3A_189 = tpu.memref_squeeze %dma_start3A_188 : memref<1x125x16xf32, #tpu.memory_space<vmem>> -> memref<125x16xf32, #tpu.memory_space<vmem>>
    %dma_start3A_190 = arith.constant 0 : i32
    %dma_start3A_191 = tpu.memref_slice %arg6[%dma_start3A_185, %dma_start3A_190] : memref<40x125xi32, #tpu.memory_space<vmem>> -> memref<1x125xi32, #tpu.memory_space<vmem>>
    %dma_start3A_192 = tpu.memref_squeeze %dma_start3A_191 : memref<1x125xi32, #tpu.memory_space<vmem>> -> memref<125xi32, #tpu.memory_space<vmem>>
    %dma_start3A_193 = arith.constant 0 : i32
    %dma_start3A_194 = arith.constant 0 : i32
    %dma_start3A_195 = tpu.memref_slice %arg8[%dma_start3A_193, %dma_start3A_194] : memref<10000x16xf32, #tpu.memory_space<vmem_shared>> -> memref<10000x16xf32, #tpu.memory_space<vmem_shared>>
    tpu.enqueue_indirect_dma source(%dma_start3A_189 : memref<125x16xf32, #tpu.memory_space<vmem>>) target(%dma_start3A_195 : memref<10000x16xf32, #tpu.memory_space<vmem_shared>>) offsets(%dma_start3A_192 : memref<125xi32, #tpu.memory_space<vmem>>) semaphore(%arg9 : memref<!tpu.dma_semaphore, #tpu.memory_space<semaphore_mem>>) {add = true}
    %dma_start3A_196 = arith.constant 16 : i32
    %dma_start3A_197 = arith.constant 16 : i32
    %dma_start3A_198 = arith.constant 0 : i32
    %dma_start3A_199 = arith.constant 0 : i32
    %dma_start3A_200 = tpu.memref_slice %arg7[%dma_start3A_196, %dma_start3A_198, %dma_start3A_199] : memref<40x125x16xf32, #tpu.memory_space<vmem>> -> memref<1x125x16xf32, #tpu.memory_space<vmem>>
    %dma_start3A_201 = tpu.memref_squeeze %dma_start3A_200 : memref<1x125x16xf32, #tpu.memory_space<vmem>> -> memref<125x16xf32, #tpu.memory_space<vmem>>
    %dma_start3A_202 = arith.constant 0 : i32
    %dma_start3A_203 = tpu.memref_slice %arg6[%dma_start3A_197, %dma_start3A_202] : memref<40x125xi32, #tpu.memory_space<vmem>> -> memref<1x125xi32, #tpu.memory_space<vmem>>
    %dma_start3A_204 = tpu.memref_squeeze %dma_start3A_203 : memref<1x125xi32, #tpu.memory_space<vmem>> -> memref<125xi32, #tpu.memory_space<vmem>>
    %dma_start3A_205 = arith.constant 0 : i32
    %dma_start3A_206 = arith.constant 0 : i32
    %dma_start3A_207 = tpu.memref_slice %arg8[%dma_start3A_205, %dma_start3A_206] : memref<10000x16xf32, #tpu.memory_space<vmem_shared>> -> memref<10000x16xf32, #tpu.memory_space<vmem_shared>>
    tpu.enqueue_indirect_dma source(%dma_start3A_201 : memref<125x16xf32, #tpu.memory_space<vmem>>) target(%dma_start3A_207 : memref<10000x16xf32, #tpu.memory_space<vmem_shared>>) offsets(%dma_start3A_204 : memref<125xi32, #tpu.memory_space<vmem>>) semaphore(%arg9 : memref<!tpu.dma_semaphore, #tpu.memory_space<semaphore_mem>>) {add = true}
    %dma_start3A_208 = arith.constant 17 : i32
    %dma_start3A_209 = arith.constant 17 : i32
    %dma_start3A_210 = arith.constant 0 : i32
    %dma_start3A_211 = arith.constant 0 : i32
    %dma_start3A_212 = tpu.memref_slice %arg7[%dma_start3A_208, %dma_start3A_210, %dma_start3A_211] : memref<40x125x16xf32, #tpu.memory_space<vmem>> -> memref<1x125x16xf32, #tpu.memory_space<vmem>>
    %dma_start3A_213 = tpu.memref_squeeze %dma_start3A_212 : memref<1x125x16xf32, #tpu.memory_space<vmem>> -> memref<125x16xf32, #tpu.memory_space<vmem>>
    %dma_start3A_214 = arith.constant 0 : i32
    %dma_start3A_215 = tpu.memref_slice %arg6[%dma_start3A_209, %dma_start3A_214] : memref<40x125xi32, #tpu.memory_space<vmem>> -> memref<1x125xi32, #tpu.memory_space<vmem>>
    %dma_start3A_216 = tpu.memref_squeeze %dma_start3A_215 : memref<1x125xi32, #tpu.memory_space<vmem>> -> memref<125xi32, #tpu.memory_space<vmem>>
    %dma_start3A_217 = arith.constant 0 : i32
    %dma_start3A_218 = arith.constant 0 : i32
    %dma_start3A_219 = tpu.memref_slice %arg8[%dma_start3A_217, %dma_start3A_218] : memref<10000x16xf32, #tpu.memory_space<vmem_shared>> -> memref<10000x16xf32, #tpu.memory_space<vmem_shared>>
    tpu.enqueue_indirect_dma source(%dma_start3A_213 : memref<125x16xf32, #tpu.memory_space<vmem>>) target(%dma_start3A_219 : memref<10000x16xf32, #tpu.memory_space<vmem_shared>>) offsets(%dma_start3A_216 : memref<125xi32, #tpu.memory_space<vmem>>) semaphore(%arg9 : memref<!tpu.dma_semaphore, #tpu.memory_space<semaphore_mem>>) {add = true}
    %dma_start3A_220 = arith.constant 18 : i32
    %dma_start3A_221 = arith.constant 18 : i32
    %dma_start3A_222 = arith.constant 0 : i32
    %dma_start3A_223 = arith.constant 0 : i32
    %dma_start3A_224 = tpu.memref_slice %arg7[%dma_start3A_220, %dma_start3A_222, %dma_start3A_223] : memref<40x125x16xf32, #tpu.memory_space<vmem>> -> memref<1x125x16xf32, #tpu.memory_space<vmem>>
    %dma_start3A_225 = tpu.memref_squeeze %dma_start3A_224 : memref<1x125x16xf32, #tpu.memory_space<vmem>> -> memref<125x16xf32, #tpu.memory_space<vmem>>
    %dma_start3A_226 = arith.constant 0 : i32
    %dma_start3A_227 = tpu.memref_slice %arg6[%dma_start3A_221, %dma_start3A_226] : memref<40x125xi32, #tpu.memory_space<vmem>> -> memref<1x125xi32, #tpu.memory_space<vmem>>
    %dma_start3A_228 = tpu.memref_squeeze %dma_start3A_227 : memref<1x125xi32, #tpu.memory_space<vmem>> -> memref<125xi32, #tpu.memory_space<vmem>>
    %dma_start3A_229 = arith.constant 0 : i32
    %dma_start3A_230 = arith.constant 0 : i32
    %dma_start3A_231 = tpu.memref_slice %arg8[%dma_start3A_229, %dma_start3A_230] : memref<10000x16xf32, #tpu.memory_space<vmem_shared>> -> memref<10000x16xf32, #tpu.memory_space<vmem_shared>>
    tpu.enqueue_indirect_dma source(%dma_start3A_225 : memref<125x16xf32, #tpu.memory_space<vmem>>) target(%dma_start3A_231 : memref<10000x16xf32, #tpu.memory_space<vmem_shared>>) offsets(%dma_start3A_228 : memref<125xi32, #tpu.memory_space<vmem>>) semaphore(%arg9 : memref<!tpu.dma_semaphore, #tpu.memory_space<semaphore_mem>>) {add = true}
    %dma_start3A_232 = arith.constant 19 : i32
    %dma_start3A_233 = arith.constant 19 : i32
    %dma_start3A_234 = arith.constant 0 : i32
    %dma_start3A_235 = arith.constant 0 : i32
    %dma_start3A_236 = tpu.memref_slice %arg7[%dma_start3A_232, %dma_start3A_234, %dma_start3A_235] : memref<40x125x16xf32, #tpu.memory_space<vmem>> -> memref<1x125x16xf32, #tpu.memory_space<vmem>>
    %dma_start3A_237 = tpu.memref_squeeze %dma_start3A_236 : memref<1x125x16xf32, #tpu.memory_space<vmem>> -> memref<125x16xf32, #tpu.memory_space<vmem>>
    %dma_start3A_238 = arith.constant 0 : i32
    %dma_start3A_239 = tpu.memref_slice %arg6[%dma_start3A_233, %dma_start3A_238] : memref<40x125xi32, #tpu.memory_space<vmem>> -> memref<1x125xi32, #tpu.memory_space<vmem>>
    %dma_start3A_240 = tpu.memref_squeeze %dma_start3A_239 : memref<1x125xi32, #tpu.memory_space<vmem>> -> memref<125xi32, #tpu.memory_space<vmem>>
    %dma_start3A_241 = arith.constant 0 : i32
    %dma_start3A_242 = arith.constant 0 : i32
    %dma_start3A_243 = tpu.memref_slice %arg8[%dma_start3A_241, %dma_start3A_242] : memref<10000x16xf32, #tpu.memory_space<vmem_shared>> -> memref<10000x16xf32, #tpu.memory_space<vmem_shared>>
    tpu.enqueue_indirect_dma source(%dma_start3A_237 : memref<125x16xf32, #tpu.memory_space<vmem>>) target(%dma_start3A_243 : memref<10000x16xf32, #tpu.memory_space<vmem_shared>>) offsets(%dma_start3A_240 : memref<125xi32, #tpu.memory_space<vmem>>) semaphore(%arg9 : memref<!tpu.dma_semaphore, #tpu.memory_space<semaphore_mem>>) {add = true}
    %scan3A = arith.constant 0 : i32
    %scan3A_244 = arith.constant 0 : i32
    %scan3A_245 = arith.constant 20 : i32
    %scan3A_246 = arith.addi %scan3A_244, %scan3A_245 : i32
    %scan3A_247 = arith.constant 1 : i32
    scf.for %scan3A_256 = %scan3A_244 to %scan3A_246 step %scan3A_247  : i32 {
      %dma_wait3A = arith.constant 0 : i32
      %dma_wait3A_257 = arith.constant 0 : i32
      %dma_wait3A_258 = tpu.memref_slice %arg7[%scan3A_256, %dma_wait3A, %dma_wait3A_257] : memref<40x125x16xf32, #tpu.memory_space<vmem>> -> memref<1x125x16xf32, #tpu.memory_space<vmem>>
      %dma_wait3A_259 = tpu.memref_squeeze %dma_wait3A_258 : memref<1x125x16xf32, #tpu.memory_space<vmem>> -> memref<125x16xf32, #tpu.memory_space<vmem>>
      %dma_wait3A_260 = arith.constant 0 : i32
      %dma_wait3A_261 = tpu.memref_slice %arg6[%scan3A_256, %dma_wait3A_260] : memref<40x125xi32, #tpu.memory_space<vmem>> -> memref<1x125xi32, #tpu.memory_space<vmem>>
      %dma_wait3A_262 = tpu.memref_squeeze %dma_wait3A_261 : memref<1x125xi32, #tpu.memory_space<vmem>> -> memref<125xi32, #tpu.memory_space<vmem>>
      %dma_wait3A_263 = arith.constant 0 : i32
      %dma_wait3A_264 = arith.constant 0 : i32
      %dma_wait3A_265 = tpu.memref_slice %arg8[%dma_wait3A_263, %dma_wait3A_264] : memref<10000x16xf32, #tpu.memory_space<vmem_shared>> -> memref<10000x16xf32, #tpu.memory_space<vmem_shared>>
      tpu.wait_indirect_dma semaphore(%arg9 : memref<!tpu.dma_semaphore, #tpu.memory_space<semaphore_mem>>) src(%dma_wait3A_259 : memref<125x16xf32, #tpu.memory_space<vmem>>) dst(%dma_wait3A_265 : memref<10000x16xf32, #tpu.memory_space<vmem_shared>>)
      %add3A_266 = arith.constant 20 : i32
      %add3A_267 = arith.addi %scan3A_256, %add3A_266 : i32
      %add3A_268 = arith.constant 20 : i32
      %add3A_269 = arith.addi %scan3A_256, %add3A_268 : i32
      %dma_start3A_270 = arith.constant 0 : i32
      %dma_start3A_271 = arith.constant 0 : i32
      %dma_start3A_272 = tpu.memref_slice %arg7[%add3A_267, %dma_start3A_270, %dma_start3A_271] : memref<40x125x16xf32, #tpu.memory_space<vmem>> -> memref<1x125x16xf32, #tpu.memory_space<vmem>>
      %dma_start3A_273 = tpu.memref_squeeze %dma_start3A_272 : memref<1x125x16xf32, #tpu.memory_space<vmem>> -> memref<125x16xf32, #tpu.memory_space<vmem>>
      %dma_start3A_274 = arith.constant 0 : i32
      %dma_start3A_275 = tpu.memref_slice %arg6[%add3A_269, %dma_start3A_274] : memref<40x125xi32, #tpu.memory_space<vmem>> -> memref<1x125xi32, #tpu.memory_space<vmem>>
      %dma_start3A_276 = tpu.memref_squeeze %dma_start3A_275 : memref<1x125xi32, #tpu.memory_space<vmem>> -> memref<125xi32, #tpu.memory_space<vmem>>
      %dma_start3A_277 = arith.constant 0 : i32
      %dma_start3A_278 = arith.constant 0 : i32
      %dma_start3A_279 = tpu.memref_slice %arg8[%dma_start3A_277, %dma_start3A_278] : memref<10000x16xf32, #tpu.memory_space<vmem_shared>> -> memref<10000x16xf32, #tpu.memory_space<vmem_shared>>
      tpu.enqueue_indirect_dma source(%dma_start3A_273 : memref<125x16xf32, #tpu.memory_space<vmem>>) target(%dma_start3A_279 : memref<10000x16xf32, #tpu.memory_space<vmem_shared>>) offsets(%dma_start3A_276 : memref<125xi32, #tpu.memory_space<vmem>>) semaphore(%arg9 : memref<!tpu.dma_semaphore, #tpu.memory_space<semaphore_mem>>) {add = true}
    }
    %scan3A_248 = arith.constant 20 : i32
    %scan3A_249 = arith.constant 0 : i32
    %scan3A_250 = arith.constant 20 : i32
    %scan3A_251 = arith.constant 20 : i32
    %scan3A_252 = arith.addi %scan3A_250, %scan3A_251 : i32
    %scan3A_253 = arith.constant 1 : i32
    scf.for %scan3A_256 = %scan3A_250 to %scan3A_252 step %scan3A_253  : i32 {
      %dma_wait3A = arith.constant 0 : i32
      %dma_wait3A_257 = arith.constant 0 : i32
      %dma_wait3A_258 = tpu.memref_slice %arg7[%scan3A_256, %dma_wait3A, %dma_wait3A_257] : memref<40x125x16xf32, #tpu.memory_space<vmem>> -> memref<1x125x16xf32, #tpu.memory_space<vmem>>
      %dma_wait3A_259 = tpu.memref_squeeze %dma_wait3A_258 : memref<1x125x16xf32, #tpu.memory_space<vmem>> -> memref<125x16xf32, #tpu.memory_space<vmem>>
      %dma_wait3A_260 = arith.constant 0 : i32
      %dma_wait3A_261 = tpu.memref_slice %arg6[%scan3A_256, %dma_wait3A_260] : memref<40x125xi32, #tpu.memory_space<vmem>> -> memref<1x125xi32, #tpu.memory_space<vmem>>
      %dma_wait3A_262 = tpu.memref_squeeze %dma_wait3A_261 : memref<1x125xi32, #tpu.memory_space<vmem>> -> memref<125xi32, #tpu.memory_space<vmem>>
      %dma_wait3A_263 = arith.constant 0 : i32
      %dma_wait3A_264 = arith.constant 0 : i32
      %dma_wait3A_265 = tpu.memref_slice %arg8[%dma_wait3A_263, %dma_wait3A_264] : memref<10000x16xf32, #tpu.memory_space<vmem_shared>> -> memref<10000x16xf32, #tpu.memory_space<vmem_shared>>
      tpu.wait_indirect_dma semaphore(%arg9 : memref<!tpu.dma_semaphore, #tpu.memory_space<semaphore_mem>>) src(%dma_wait3A_259 : memref<125x16xf32, #tpu.memory_space<vmem>>) dst(%dma_wait3A_265 : memref<10000x16xf32, #tpu.memory_space<vmem_shared>>)
    }
    %scan3A_254 = arith.constant 20 : i32
    %barrier3A_255 = arith.constant 0 : index
    tpu.barrier barrier_id(%barrier3A_255)
    "tpu.region"() ({
      %run_scoped3A = tpu.sem_alloc : memref<!tpu.dma_semaphore, #tpu.memory_space<semaphore_mem>>
      %dma_start3A_256 = arith.constant 0 : i32
      %dma_start3A_257 = tpu.memref_slice %arg5[%arg0, %mul3A_4, %dma_start3A_256] : memref<2x10000x16xf32, #tpu.memory_space<hbm>> -> memref<1x625x16xf32, #tpu.memory_space<hbm>>
      %dma_start3A_258 = tpu.memref_squeeze %dma_start3A_257 : memref<1x625x16xf32, #tpu.memory_space<hbm>> -> memref<625x16xf32, #tpu.memory_space<hbm>>
      %dma_start3A_259 = arith.constant 0 : i32
      %dma_start3A_260 = tpu.memref_slice %arg8[%mul3A_4, %dma_start3A_259] : memref<10000x16xf32, #tpu.memory_space<vmem_shared>> -> memref<625x16xf32, #tpu.memory_space<vmem_shared>>
      tpu.enqueue_dma source(%dma_start3A_260 : memref<625x16xf32, #tpu.memory_space<vmem_shared>>) target(%dma_start3A_258 : memref<625x16xf32, #tpu.memory_space<hbm>>) target_semaphore(%run_scoped3A : memref<!tpu.dma_semaphore, #tpu.memory_space<semaphore_mem>>)
      %dma_wait3A = arith.constant 0 : i32
      %dma_wait3A_261 = tpu.memref_slice %arg5[%arg0, %mul3A_4, %dma_wait3A] : memref<2x10000x16xf32, #tpu.memory_space<hbm>> -> memref<1x625x16xf32, #tpu.memory_space<hbm>>
      %dma_wait3A_262 = tpu.memref_squeeze %dma_wait3A_261 : memref<1x625x16xf32, #tpu.memory_space<hbm>> -> memref<625x16xf32, #tpu.memory_space<hbm>>
      %dma_wait3A_263 = arith.constant 0 : i32
      %dma_wait3A_264 = tpu.memref_slice %arg8[%mul3A_4, %dma_wait3A_263] : memref<10000x16xf32, #tpu.memory_space<vmem_shared>> -> memref<625x16xf32, #tpu.memory_space<vmem_shared>>
      tpu.wait_dma2 semaphore(%run_scoped3A : memref<!tpu.dma_semaphore, #tpu.memory_space<semaphore_mem>>) src(%dma_wait3A_264 : memref<625x16xf32, #tpu.memory_space<vmem_shared>>) dst(%dma_wait3A_262 : memref<625x16xf32, #tpu.memory_space<hbm>>)
      tpu.yield
    }) : () -> ()
    return
  }
}

module attributes {stable_mosaic.version = 14 : i64} {
  func.func @_messages_body(%arg0: i32, %arg1: memref<2000x128xf32, #tpu.memory_space<vmem>>, %arg2: memref<128x128xf32, #tpu.memory_space<vmem>>, %arg3: memref<2000x128xf32, #tpu.memory_space<vmem>>, %arg4: memref<2000x8xf32, #tpu.memory_space<vmem>>, %arg5: memref<16x64xf32, #tpu.memory_space<vmem>>, %arg6: memref<1x64xf32, #tpu.memory_space<vmem>>, %arg7: memref<64x256xf32, #tpu.memory_space<vmem>>, %arg8: memref<1x256xf32, #tpu.memory_space<vmem>>, %arg9: memref<16x256xf32, #tpu.memory_space<vmem>>, %arg10: memref<256x16xf32, #tpu.memory_space<vmem>>, %arg11: memref<2000x128xf32, #tpu.memory_space<vmem>>) attributes {dimension_semantics = [#tpu.dimension_semantics<arbitrary>], iteration_bounds = array<i64: 10>, scalar_prefetch = 0 : i64, scratch_operands = 0 : i64, tpu.core_type = #tpu.core_type<tc>, window_params = [{transform_indices = @transform_0, window_bounds = array<i64: 2000, 128>}, {pipeline_mode = #tpu.pipeline_mode<synchronous>, transform_indices = @transform_1, window_bounds = array<i64: 128, 128>}, {transform_indices = @transform_2, window_bounds = array<i64: 2000, 128>}, {transform_indices = @transform_3, window_bounds = array<i64: 2000, 8>}, {pipeline_mode = #tpu.pipeline_mode<synchronous>, transform_indices = @transform_4, window_bounds = array<i64: 16, 64>}, {pipeline_mode = #tpu.pipeline_mode<synchronous>, transform_indices = @transform_5, window_bounds = array<i64: 1, 64>}, {pipeline_mode = #tpu.pipeline_mode<synchronous>, transform_indices = @transform_6, window_bounds = array<i64: 64, 256>}, {pipeline_mode = #tpu.pipeline_mode<synchronous>, transform_indices = @transform_7, window_bounds = array<i64: 1, 256>}, {pipeline_mode = #tpu.pipeline_mode<synchronous>, transform_indices = @transform_8, window_bounds = array<i64: 16, 256>}, {pipeline_mode = #tpu.pipeline_mode<synchronous>, transform_indices = @transform_9, window_bounds = array<i64: 256, 16>}, {transform_indices = @transform_10, window_bounds = array<i64: 2000, 128>}]} {
    %get3A = arith.constant 0 : index
    %get3A_0 = arith.constant 0 : index
    %get3A_1 = vector.load %arg1[%get3A, %get3A_0] : memref<2000x128xf32, #tpu.memory_space<vmem>>, vector<2000x128xf32>
    %get3A_2 = arith.constant 0 : index
    %get3A_3 = arith.constant 0 : index
    %get3A_4 = vector.load %arg2[%get3A_2, %get3A_3] : memref<128x128xf32, #tpu.memory_space<vmem>>, vector<128x128xf32>
    %dot_general3A = arith.constant dense<0.000000e+00> : vector<2000x128xf32>
    %dot_general3A_5 = tpu.matmul %get3A_1, %get3A_4, %dot_general3A {dimension_numbers = #tpu.dot_dimension_numbers<[1], [0], [0], [1], [0, 0, 1, 1], [], []>, transpose_lhs_hint = false} : vector<2000x128xf32>, vector<128x128xf32>, vector<2000x128xf32> -> vector<2000x128xf32>
    %get3A_6 = arith.constant 0 : index
    %get3A_7 = arith.constant 0 : index
    %get3A_8 = vector.load %arg3[%get3A_6, %get3A_7] : memref<2000x128xf32, #tpu.memory_space<vmem>>, vector<2000x128xf32>
    %get3A_9 = arith.constant 0 : index
    %get3A_10 = arith.constant 0 : index
    %get3A_11 = vector.load %arg4[%get3A_9, %get3A_10] : memref<2000x8xf32, #tpu.memory_space<vmem>>, vector<2000x8xf32>
    %slice3A = vector.extract_strided_slice %dot_general3A_5 {offsets = [0, 0], sizes = [2000, 16], strides = [1, 1]} : vector<2000x128xf32> to vector<2000x16xf32>
    %get3A_12 = arith.constant 0 : index
    %get3A_13 = arith.constant 0 : index
    %get3A_14 = vector.load %arg5[%get3A_12, %get3A_13] : memref<16x64xf32, #tpu.memory_space<vmem>>, vector<16x64xf32>
    %dot_general3A_15 = arith.constant dense<0.000000e+00> : vector<2000x64xf32>
    %dot_general3A_16 = tpu.matmul %slice3A, %get3A_14, %dot_general3A_15 {dimension_numbers = #tpu.dot_dimension_numbers<[1], [0], [0], [1], [0, 0, 1, 1], [], []>, transpose_lhs_hint = false} : vector<2000x16xf32>, vector<16x64xf32>, vector<2000x64xf32> -> vector<2000x64xf32>
    %get3A_17 = arith.constant 0 : index
    %get3A_18 = arith.constant 0 : index
    %get3A_19 = vector.load %arg6[%get3A_17, %get3A_18] : memref<1x64xf32, #tpu.memory_space<vmem>>, vector<1x64xf32>
    %add3A = vector.broadcast %get3A_19 : vector<1x64xf32> to vector<2000x64xf32>
    %add3A_20 = arith.addf %dot_general3A_16, %add3A : vector<2000x64xf32>
    %logistic3A = arith.negf %add3A_20 : vector<2000x64xf32>
    %logistic3A_21 = math.exp %logistic3A : vector<2000x64xf32>
    %logistic3A_22 = arith.constant 1.000000e+00 : f32
    %logistic3A_23 = vector.broadcast %logistic3A_22 : f32 to vector<2000x64xf32>
    %logistic3A_24 = arith.addf %logistic3A_23, %logistic3A_21 : vector<2000x64xf32>
    %logistic3A_25 = arith.divf %logistic3A_23, %logistic3A_24 : vector<2000x64xf32>
    %mul3A = arith.mulf %add3A_20, %logistic3A_25 : vector<2000x64xf32>
    %get3A_26 = arith.constant 0 : index
    %get3A_27 = arith.constant 0 : index
    %get3A_28 = vector.load %arg7[%get3A_26, %get3A_27] : memref<64x256xf32, #tpu.memory_space<vmem>>, vector<64x256xf32>
    %dot_general3A_29 = arith.constant dense<0.000000e+00> : vector<2000x256xf32>
    %dot_general3A_30 = tpu.matmul %mul3A, %get3A_28, %dot_general3A_29 {dimension_numbers = #tpu.dot_dimension_numbers<[1], [0], [0], [1], [0, 0, 1, 1], [], []>, transpose_lhs_hint = false} : vector<2000x64xf32>, vector<64x256xf32>, vector<2000x256xf32> -> vector<2000x256xf32>
    %get3A_31 = arith.constant 0 : index
    %get3A_32 = arith.constant 0 : index
    %get3A_33 = vector.load %arg8[%get3A_31, %get3A_32] : memref<1x256xf32, #tpu.memory_space<vmem>>, vector<1x256xf32>
    %add3A_34 = vector.broadcast %get3A_33 : vector<1x256xf32> to vector<2000x256xf32>
    %add3A_35 = arith.addf %dot_general3A_30, %add3A_34 : vector<2000x256xf32>
    %slice3A_36 = vector.extract_strided_slice %get3A_8 {offsets = [0, 0], sizes = [2000, 16], strides = [1, 1]} : vector<2000x128xf32> to vector<2000x16xf32>
    %slice3A_37 = vector.extract_strided_slice %get3A_11 {offsets = [0, 0], sizes = [2000, 1], strides = [1, 1]} : vector<2000x8xf32> to vector<2000x1xf32>
    %mul3A_38 = vector.broadcast %slice3A_37 : vector<2000x1xf32> to vector<2000x16xf32>
    %mul3A_39 = arith.mulf %slice3A_36, %mul3A_38 : vector<2000x16xf32>
    %get3A_40 = arith.constant 0 : index
    %get3A_41 = arith.constant 0 : index
    %get3A_42 = vector.load %arg9[%get3A_40, %get3A_41] : memref<16x256xf32, #tpu.memory_space<vmem>>, vector<16x256xf32>
    %dot_general3A_43 = arith.constant dense<0.000000e+00> : vector<2000x256xf32>
    %dot_general3A_44 = tpu.matmul %mul3A_39, %get3A_42, %dot_general3A_43 {dimension_numbers = #tpu.dot_dimension_numbers<[1], [0], [0], [1], [0, 0, 1, 1], [], []>, transpose_lhs_hint = false} : vector<2000x16xf32>, vector<16x256xf32>, vector<2000x256xf32> -> vector<2000x256xf32>
    %mul3A_45 = arith.mulf %add3A_35, %dot_general3A_44 : vector<2000x256xf32>
    %get3A_46 = arith.constant 0 : index
    %get3A_47 = arith.constant 0 : index
    %get3A_48 = vector.load %arg10[%get3A_46, %get3A_47] : memref<256x16xf32, #tpu.memory_space<vmem>>, vector<256x16xf32>
    %dot_general3A_49 = arith.constant dense<0.000000e+00> : vector<2000x16xf32>
    %dot_general3A_50 = tpu.matmul %mul3A_45, %get3A_48, %dot_general3A_49 {dimension_numbers = #tpu.dot_dimension_numbers<[1], [0], [0], [1], [0, 0, 1, 1], [], []>, transpose_lhs_hint = false} : vector<2000x256xf32>, vector<256x16xf32>, vector<2000x16xf32> -> vector<2000x16xf32>
    %slice3A_51 = vector.extract_strided_slice %dot_general3A_5 {offsets = [0, 16], sizes = [2000, 16], strides = [1, 1]} : vector<2000x128xf32> to vector<2000x16xf32>
    %get3A_52 = arith.constant 0 : index
    %get3A_53 = arith.constant 0 : index
    %get3A_54 = vector.load %arg5[%get3A_52, %get3A_53] : memref<16x64xf32, #tpu.memory_space<vmem>>, vector<16x64xf32>
    %dot_general3A_55 = arith.constant dense<0.000000e+00> : vector<2000x64xf32>
    %dot_general3A_56 = tpu.matmul %slice3A_51, %get3A_54, %dot_general3A_55 {dimension_numbers = #tpu.dot_dimension_numbers<[1], [0], [0], [1], [0, 0, 1, 1], [], []>, transpose_lhs_hint = false} : vector<2000x16xf32>, vector<16x64xf32>, vector<2000x64xf32> -> vector<2000x64xf32>
    %get3A_57 = arith.constant 0 : index
    %get3A_58 = arith.constant 0 : index
    %get3A_59 = vector.load %arg6[%get3A_57, %get3A_58] : memref<1x64xf32, #tpu.memory_space<vmem>>, vector<1x64xf32>
    %add3A_60 = vector.broadcast %get3A_59 : vector<1x64xf32> to vector<2000x64xf32>
    %add3A_61 = arith.addf %dot_general3A_56, %add3A_60 : vector<2000x64xf32>
    %logistic3A_62 = arith.negf %add3A_61 : vector<2000x64xf32>
    %logistic3A_63 = math.exp %logistic3A_62 : vector<2000x64xf32>
    %logistic3A_64 = arith.constant 1.000000e+00 : f32
    %logistic3A_65 = vector.broadcast %logistic3A_64 : f32 to vector<2000x64xf32>
    %logistic3A_66 = arith.addf %logistic3A_65, %logistic3A_63 : vector<2000x64xf32>
    %logistic3A_67 = arith.divf %logistic3A_65, %logistic3A_66 : vector<2000x64xf32>
    %mul3A_68 = arith.mulf %add3A_61, %logistic3A_67 : vector<2000x64xf32>
    %get3A_69 = arith.constant 0 : index
    %get3A_70 = arith.constant 0 : index
    %get3A_71 = vector.load %arg7[%get3A_69, %get3A_70] : memref<64x256xf32, #tpu.memory_space<vmem>>, vector<64x256xf32>
    %dot_general3A_72 = arith.constant dense<0.000000e+00> : vector<2000x256xf32>
    %dot_general3A_73 = tpu.matmul %mul3A_68, %get3A_71, %dot_general3A_72 {dimension_numbers = #tpu.dot_dimension_numbers<[1], [0], [0], [1], [0, 0, 1, 1], [], []>, transpose_lhs_hint = false} : vector<2000x64xf32>, vector<64x256xf32>, vector<2000x256xf32> -> vector<2000x256xf32>
    %get3A_74 = arith.constant 0 : index
    %get3A_75 = arith.constant 0 : index
    %get3A_76 = vector.load %arg8[%get3A_74, %get3A_75] : memref<1x256xf32, #tpu.memory_space<vmem>>, vector<1x256xf32>
    %add3A_77 = vector.broadcast %get3A_76 : vector<1x256xf32> to vector<2000x256xf32>
    %add3A_78 = arith.addf %dot_general3A_73, %add3A_77 : vector<2000x256xf32>
    %slice3A_79 = vector.extract_strided_slice %get3A_8 {offsets = [0, 16], sizes = [2000, 16], strides = [1, 1]} : vector<2000x128xf32> to vector<2000x16xf32>
    %slice3A_80 = vector.extract_strided_slice %get3A_11 {offsets = [0, 1], sizes = [2000, 1], strides = [1, 1]} : vector<2000x8xf32> to vector<2000x1xf32>
    %mul3A_81 = vector.broadcast %slice3A_80 : vector<2000x1xf32> to vector<2000x16xf32>
    %mul3A_82 = arith.mulf %slice3A_79, %mul3A_81 : vector<2000x16xf32>
    %get3A_83 = arith.constant 0 : index
    %get3A_84 = arith.constant 0 : index
    %get3A_85 = vector.load %arg9[%get3A_83, %get3A_84] : memref<16x256xf32, #tpu.memory_space<vmem>>, vector<16x256xf32>
    %dot_general3A_86 = arith.constant dense<0.000000e+00> : vector<2000x256xf32>
    %dot_general3A_87 = tpu.matmul %mul3A_82, %get3A_85, %dot_general3A_86 {dimension_numbers = #tpu.dot_dimension_numbers<[1], [0], [0], [1], [0, 0, 1, 1], [], []>, transpose_lhs_hint = false} : vector<2000x16xf32>, vector<16x256xf32>, vector<2000x256xf32> -> vector<2000x256xf32>
    %mul3A_88 = arith.mulf %add3A_78, %dot_general3A_87 : vector<2000x256xf32>
    %get3A_89 = arith.constant 0 : index
    %get3A_90 = arith.constant 0 : index
    %get3A_91 = vector.load %arg10[%get3A_89, %get3A_90] : memref<256x16xf32, #tpu.memory_space<vmem>>, vector<256x16xf32>
    %dot_general3A_92 = arith.constant dense<0.000000e+00> : vector<2000x16xf32>
    %dot_general3A_93 = tpu.matmul %mul3A_88, %get3A_91, %dot_general3A_92 {dimension_numbers = #tpu.dot_dimension_numbers<[1], [0], [0], [1], [0, 0, 1, 1], [], []>, transpose_lhs_hint = false} : vector<2000x256xf32>, vector<256x16xf32>, vector<2000x16xf32> -> vector<2000x16xf32>
    %slice3A_94 = vector.extract_strided_slice %dot_general3A_5 {offsets = [0, 32], sizes = [2000, 16], strides = [1, 1]} : vector<2000x128xf32> to vector<2000x16xf32>
    %get3A_95 = arith.constant 0 : index
    %get3A_96 = arith.constant 0 : index
    %get3A_97 = vector.load %arg5[%get3A_95, %get3A_96] : memref<16x64xf32, #tpu.memory_space<vmem>>, vector<16x64xf32>
    %dot_general3A_98 = arith.constant dense<0.000000e+00> : vector<2000x64xf32>
    %dot_general3A_99 = tpu.matmul %slice3A_94, %get3A_97, %dot_general3A_98 {dimension_numbers = #tpu.dot_dimension_numbers<[1], [0], [0], [1], [0, 0, 1, 1], [], []>, transpose_lhs_hint = false} : vector<2000x16xf32>, vector<16x64xf32>, vector<2000x64xf32> -> vector<2000x64xf32>
    %get3A_100 = arith.constant 0 : index
    %get3A_101 = arith.constant 0 : index
    %get3A_102 = vector.load %arg6[%get3A_100, %get3A_101] : memref<1x64xf32, #tpu.memory_space<vmem>>, vector<1x64xf32>
    %add3A_103 = vector.broadcast %get3A_102 : vector<1x64xf32> to vector<2000x64xf32>
    %add3A_104 = arith.addf %dot_general3A_99, %add3A_103 : vector<2000x64xf32>
    %logistic3A_105 = arith.negf %add3A_104 : vector<2000x64xf32>
    %logistic3A_106 = math.exp %logistic3A_105 : vector<2000x64xf32>
    %logistic3A_107 = arith.constant 1.000000e+00 : f32
    %logistic3A_108 = vector.broadcast %logistic3A_107 : f32 to vector<2000x64xf32>
    %logistic3A_109 = arith.addf %logistic3A_108, %logistic3A_106 : vector<2000x64xf32>
    %logistic3A_110 = arith.divf %logistic3A_108, %logistic3A_109 : vector<2000x64xf32>
    %mul3A_111 = arith.mulf %add3A_104, %logistic3A_110 : vector<2000x64xf32>
    %get3A_112 = arith.constant 0 : index
    %get3A_113 = arith.constant 0 : index
    %get3A_114 = vector.load %arg7[%get3A_112, %get3A_113] : memref<64x256xf32, #tpu.memory_space<vmem>>, vector<64x256xf32>
    %dot_general3A_115 = arith.constant dense<0.000000e+00> : vector<2000x256xf32>
    %dot_general3A_116 = tpu.matmul %mul3A_111, %get3A_114, %dot_general3A_115 {dimension_numbers = #tpu.dot_dimension_numbers<[1], [0], [0], [1], [0, 0, 1, 1], [], []>, transpose_lhs_hint = false} : vector<2000x64xf32>, vector<64x256xf32>, vector<2000x256xf32> -> vector<2000x256xf32>
    %get3A_117 = arith.constant 0 : index
    %get3A_118 = arith.constant 0 : index
    %get3A_119 = vector.load %arg8[%get3A_117, %get3A_118] : memref<1x256xf32, #tpu.memory_space<vmem>>, vector<1x256xf32>
    %add3A_120 = vector.broadcast %get3A_119 : vector<1x256xf32> to vector<2000x256xf32>
    %add3A_121 = arith.addf %dot_general3A_116, %add3A_120 : vector<2000x256xf32>
    %slice3A_122 = vector.extract_strided_slice %get3A_8 {offsets = [0, 32], sizes = [2000, 16], strides = [1, 1]} : vector<2000x128xf32> to vector<2000x16xf32>
    %slice3A_123 = vector.extract_strided_slice %get3A_11 {offsets = [0, 2], sizes = [2000, 1], strides = [1, 1]} : vector<2000x8xf32> to vector<2000x1xf32>
    %mul3A_124 = vector.broadcast %slice3A_123 : vector<2000x1xf32> to vector<2000x16xf32>
    %mul3A_125 = arith.mulf %slice3A_122, %mul3A_124 : vector<2000x16xf32>
    %get3A_126 = arith.constant 0 : index
    %get3A_127 = arith.constant 0 : index
    %get3A_128 = vector.load %arg9[%get3A_126, %get3A_127] : memref<16x256xf32, #tpu.memory_space<vmem>>, vector<16x256xf32>
    %dot_general3A_129 = arith.constant dense<0.000000e+00> : vector<2000x256xf32>
    %dot_general3A_130 = tpu.matmul %mul3A_125, %get3A_128, %dot_general3A_129 {dimension_numbers = #tpu.dot_dimension_numbers<[1], [0], [0], [1], [0, 0, 1, 1], [], []>, transpose_lhs_hint = false} : vector<2000x16xf32>, vector<16x256xf32>, vector<2000x256xf32> -> vector<2000x256xf32>
    %mul3A_131 = arith.mulf %add3A_121, %dot_general3A_130 : vector<2000x256xf32>
    %get3A_132 = arith.constant 0 : index
    %get3A_133 = arith.constant 0 : index
    %get3A_134 = vector.load %arg10[%get3A_132, %get3A_133] : memref<256x16xf32, #tpu.memory_space<vmem>>, vector<256x16xf32>
    %dot_general3A_135 = arith.constant dense<0.000000e+00> : vector<2000x16xf32>
    %dot_general3A_136 = tpu.matmul %mul3A_131, %get3A_134, %dot_general3A_135 {dimension_numbers = #tpu.dot_dimension_numbers<[1], [0], [0], [1], [0, 0, 1, 1], [], []>, transpose_lhs_hint = false} : vector<2000x256xf32>, vector<256x16xf32>, vector<2000x16xf32> -> vector<2000x16xf32>
    %slice3A_137 = vector.extract_strided_slice %dot_general3A_5 {offsets = [0, 48], sizes = [2000, 16], strides = [1, 1]} : vector<2000x128xf32> to vector<2000x16xf32>
    %get3A_138 = arith.constant 0 : index
    %get3A_139 = arith.constant 0 : index
    %get3A_140 = vector.load %arg5[%get3A_138, %get3A_139] : memref<16x64xf32, #tpu.memory_space<vmem>>, vector<16x64xf32>
    %dot_general3A_141 = arith.constant dense<0.000000e+00> : vector<2000x64xf32>
    %dot_general3A_142 = tpu.matmul %slice3A_137, %get3A_140, %dot_general3A_141 {dimension_numbers = #tpu.dot_dimension_numbers<[1], [0], [0], [1], [0, 0, 1, 1], [], []>, transpose_lhs_hint = false} : vector<2000x16xf32>, vector<16x64xf32>, vector<2000x64xf32> -> vector<2000x64xf32>
    %get3A_143 = arith.constant 0 : index
    %get3A_144 = arith.constant 0 : index
    %get3A_145 = vector.load %arg6[%get3A_143, %get3A_144] : memref<1x64xf32, #tpu.memory_space<vmem>>, vector<1x64xf32>
    %add3A_146 = vector.broadcast %get3A_145 : vector<1x64xf32> to vector<2000x64xf32>
    %add3A_147 = arith.addf %dot_general3A_142, %add3A_146 : vector<2000x64xf32>
    %logistic3A_148 = arith.negf %add3A_147 : vector<2000x64xf32>
    %logistic3A_149 = math.exp %logistic3A_148 : vector<2000x64xf32>
    %logistic3A_150 = arith.constant 1.000000e+00 : f32
    %logistic3A_151 = vector.broadcast %logistic3A_150 : f32 to vector<2000x64xf32>
    %logistic3A_152 = arith.addf %logistic3A_151, %logistic3A_149 : vector<2000x64xf32>
    %logistic3A_153 = arith.divf %logistic3A_151, %logistic3A_152 : vector<2000x64xf32>
    %mul3A_154 = arith.mulf %add3A_147, %logistic3A_153 : vector<2000x64xf32>
    %get3A_155 = arith.constant 0 : index
    %get3A_156 = arith.constant 0 : index
    %get3A_157 = vector.load %arg7[%get3A_155, %get3A_156] : memref<64x256xf32, #tpu.memory_space<vmem>>, vector<64x256xf32>
    %dot_general3A_158 = arith.constant dense<0.000000e+00> : vector<2000x256xf32>
    %dot_general3A_159 = tpu.matmul %mul3A_154, %get3A_157, %dot_general3A_158 {dimension_numbers = #tpu.dot_dimension_numbers<[1], [0], [0], [1], [0, 0, 1, 1], [], []>, transpose_lhs_hint = false} : vector<2000x64xf32>, vector<64x256xf32>, vector<2000x256xf32> -> vector<2000x256xf32>
    %get3A_160 = arith.constant 0 : index
    %get3A_161 = arith.constant 0 : index
    %get3A_162 = vector.load %arg8[%get3A_160, %get3A_161] : memref<1x256xf32, #tpu.memory_space<vmem>>, vector<1x256xf32>
    %add3A_163 = vector.broadcast %get3A_162 : vector<1x256xf32> to vector<2000x256xf32>
    %add3A_164 = arith.addf %dot_general3A_159, %add3A_163 : vector<2000x256xf32>
    %slice3A_165 = vector.extract_strided_slice %get3A_8 {offsets = [0, 48], sizes = [2000, 16], strides = [1, 1]} : vector<2000x128xf32> to vector<2000x16xf32>
    %slice3A_166 = vector.extract_strided_slice %get3A_11 {offsets = [0, 3], sizes = [2000, 1], strides = [1, 1]} : vector<2000x8xf32> to vector<2000x1xf32>
    %mul3A_167 = vector.broadcast %slice3A_166 : vector<2000x1xf32> to vector<2000x16xf32>
    %mul3A_168 = arith.mulf %slice3A_165, %mul3A_167 : vector<2000x16xf32>
    %get3A_169 = arith.constant 0 : index
    %get3A_170 = arith.constant 0 : index
    %get3A_171 = vector.load %arg9[%get3A_169, %get3A_170] : memref<16x256xf32, #tpu.memory_space<vmem>>, vector<16x256xf32>
    %dot_general3A_172 = arith.constant dense<0.000000e+00> : vector<2000x256xf32>
    %dot_general3A_173 = tpu.matmul %mul3A_168, %get3A_171, %dot_general3A_172 {dimension_numbers = #tpu.dot_dimension_numbers<[1], [0], [0], [1], [0, 0, 1, 1], [], []>, transpose_lhs_hint = false} : vector<2000x16xf32>, vector<16x256xf32>, vector<2000x256xf32> -> vector<2000x256xf32>
    %mul3A_174 = arith.mulf %add3A_164, %dot_general3A_173 : vector<2000x256xf32>
    %get3A_175 = arith.constant 0 : index
    %get3A_176 = arith.constant 0 : index
    %get3A_177 = vector.load %arg10[%get3A_175, %get3A_176] : memref<256x16xf32, #tpu.memory_space<vmem>>, vector<256x16xf32>
    %dot_general3A_178 = arith.constant dense<0.000000e+00> : vector<2000x16xf32>
    %dot_general3A_179 = tpu.matmul %mul3A_174, %get3A_177, %dot_general3A_178 {dimension_numbers = #tpu.dot_dimension_numbers<[1], [0], [0], [1], [0, 0, 1, 1], [], []>, transpose_lhs_hint = false} : vector<2000x256xf32>, vector<256x16xf32>, vector<2000x16xf32> -> vector<2000x16xf32>
    %slice3A_180 = vector.extract_strided_slice %dot_general3A_5 {offsets = [0, 64], sizes = [2000, 16], strides = [1, 1]} : vector<2000x128xf32> to vector<2000x16xf32>
    %get3A_181 = arith.constant 0 : index
    %get3A_182 = arith.constant 0 : index
    %get3A_183 = vector.load %arg5[%get3A_181, %get3A_182] : memref<16x64xf32, #tpu.memory_space<vmem>>, vector<16x64xf32>
    %dot_general3A_184 = arith.constant dense<0.000000e+00> : vector<2000x64xf32>
    %dot_general3A_185 = tpu.matmul %slice3A_180, %get3A_183, %dot_general3A_184 {dimension_numbers = #tpu.dot_dimension_numbers<[1], [0], [0], [1], [0, 0, 1, 1], [], []>, transpose_lhs_hint = false} : vector<2000x16xf32>, vector<16x64xf32>, vector<2000x64xf32> -> vector<2000x64xf32>
    %get3A_186 = arith.constant 0 : index
    %get3A_187 = arith.constant 0 : index
    %get3A_188 = vector.load %arg6[%get3A_186, %get3A_187] : memref<1x64xf32, #tpu.memory_space<vmem>>, vector<1x64xf32>
    %add3A_189 = vector.broadcast %get3A_188 : vector<1x64xf32> to vector<2000x64xf32>
    %add3A_190 = arith.addf %dot_general3A_185, %add3A_189 : vector<2000x64xf32>
    %logistic3A_191 = arith.negf %add3A_190 : vector<2000x64xf32>
    %logistic3A_192 = math.exp %logistic3A_191 : vector<2000x64xf32>
    %logistic3A_193 = arith.constant 1.000000e+00 : f32
    %logistic3A_194 = vector.broadcast %logistic3A_193 : f32 to vector<2000x64xf32>
    %logistic3A_195 = arith.addf %logistic3A_194, %logistic3A_192 : vector<2000x64xf32>
    %logistic3A_196 = arith.divf %logistic3A_194, %logistic3A_195 : vector<2000x64xf32>
    %mul3A_197 = arith.mulf %add3A_190, %logistic3A_196 : vector<2000x64xf32>
    %get3A_198 = arith.constant 0 : index
    %get3A_199 = arith.constant 0 : index
    %get3A_200 = vector.load %arg7[%get3A_198, %get3A_199] : memref<64x256xf32, #tpu.memory_space<vmem>>, vector<64x256xf32>
    %dot_general3A_201 = arith.constant dense<0.000000e+00> : vector<2000x256xf32>
    %dot_general3A_202 = tpu.matmul %mul3A_197, %get3A_200, %dot_general3A_201 {dimension_numbers = #tpu.dot_dimension_numbers<[1], [0], [0], [1], [0, 0, 1, 1], [], []>, transpose_lhs_hint = false} : vector<2000x64xf32>, vector<64x256xf32>, vector<2000x256xf32> -> vector<2000x256xf32>
    %get3A_203 = arith.constant 0 : index
    %get3A_204 = arith.constant 0 : index
    %get3A_205 = vector.load %arg8[%get3A_203, %get3A_204] : memref<1x256xf32, #tpu.memory_space<vmem>>, vector<1x256xf32>
    %add3A_206 = vector.broadcast %get3A_205 : vector<1x256xf32> to vector<2000x256xf32>
    %add3A_207 = arith.addf %dot_general3A_202, %add3A_206 : vector<2000x256xf32>
    %slice3A_208 = vector.extract_strided_slice %get3A_8 {offsets = [0, 64], sizes = [2000, 16], strides = [1, 1]} : vector<2000x128xf32> to vector<2000x16xf32>
    %slice3A_209 = vector.extract_strided_slice %get3A_11 {offsets = [0, 4], sizes = [2000, 1], strides = [1, 1]} : vector<2000x8xf32> to vector<2000x1xf32>
    %mul3A_210 = vector.broadcast %slice3A_209 : vector<2000x1xf32> to vector<2000x16xf32>
    %mul3A_211 = arith.mulf %slice3A_208, %mul3A_210 : vector<2000x16xf32>
    %get3A_212 = arith.constant 0 : index
    %get3A_213 = arith.constant 0 : index
    %get3A_214 = vector.load %arg9[%get3A_212, %get3A_213] : memref<16x256xf32, #tpu.memory_space<vmem>>, vector<16x256xf32>
    %dot_general3A_215 = arith.constant dense<0.000000e+00> : vector<2000x256xf32>
    %dot_general3A_216 = tpu.matmul %mul3A_211, %get3A_214, %dot_general3A_215 {dimension_numbers = #tpu.dot_dimension_numbers<[1], [0], [0], [1], [0, 0, 1, 1], [], []>, transpose_lhs_hint = false} : vector<2000x16xf32>, vector<16x256xf32>, vector<2000x256xf32> -> vector<2000x256xf32>
    %mul3A_217 = arith.mulf %add3A_207, %dot_general3A_216 : vector<2000x256xf32>
    %get3A_218 = arith.constant 0 : index
    %get3A_219 = arith.constant 0 : index
    %get3A_220 = vector.load %arg10[%get3A_218, %get3A_219] : memref<256x16xf32, #tpu.memory_space<vmem>>, vector<256x16xf32>
    %dot_general3A_221 = arith.constant dense<0.000000e+00> : vector<2000x16xf32>
    %dot_general3A_222 = tpu.matmul %mul3A_217, %get3A_220, %dot_general3A_221 {dimension_numbers = #tpu.dot_dimension_numbers<[1], [0], [0], [1], [0, 0, 1, 1], [], []>, transpose_lhs_hint = false} : vector<2000x256xf32>, vector<256x16xf32>, vector<2000x16xf32> -> vector<2000x16xf32>
    %slice3A_223 = vector.extract_strided_slice %dot_general3A_5 {offsets = [0, 80], sizes = [2000, 16], strides = [1, 1]} : vector<2000x128xf32> to vector<2000x16xf32>
    %get3A_224 = arith.constant 0 : index
    %get3A_225 = arith.constant 0 : index
    %get3A_226 = vector.load %arg5[%get3A_224, %get3A_225] : memref<16x64xf32, #tpu.memory_space<vmem>>, vector<16x64xf32>
    %dot_general3A_227 = arith.constant dense<0.000000e+00> : vector<2000x64xf32>
    %dot_general3A_228 = tpu.matmul %slice3A_223, %get3A_226, %dot_general3A_227 {dimension_numbers = #tpu.dot_dimension_numbers<[1], [0], [0], [1], [0, 0, 1, 1], [], []>, transpose_lhs_hint = false} : vector<2000x16xf32>, vector<16x64xf32>, vector<2000x64xf32> -> vector<2000x64xf32>
    %get3A_229 = arith.constant 0 : index
    %get3A_230 = arith.constant 0 : index
    %get3A_231 = vector.load %arg6[%get3A_229, %get3A_230] : memref<1x64xf32, #tpu.memory_space<vmem>>, vector<1x64xf32>
    %add3A_232 = vector.broadcast %get3A_231 : vector<1x64xf32> to vector<2000x64xf32>
    %add3A_233 = arith.addf %dot_general3A_228, %add3A_232 : vector<2000x64xf32>
    %logistic3A_234 = arith.negf %add3A_233 : vector<2000x64xf32>
    %logistic3A_235 = math.exp %logistic3A_234 : vector<2000x64xf32>
    %logistic3A_236 = arith.constant 1.000000e+00 : f32
    %logistic3A_237 = vector.broadcast %logistic3A_236 : f32 to vector<2000x64xf32>
    %logistic3A_238 = arith.addf %logistic3A_237, %logistic3A_235 : vector<2000x64xf32>
    %logistic3A_239 = arith.divf %logistic3A_237, %logistic3A_238 : vector<2000x64xf32>
    %mul3A_240 = arith.mulf %add3A_233, %logistic3A_239 : vector<2000x64xf32>
    %get3A_241 = arith.constant 0 : index
    %get3A_242 = arith.constant 0 : index
    %get3A_243 = vector.load %arg7[%get3A_241, %get3A_242] : memref<64x256xf32, #tpu.memory_space<vmem>>, vector<64x256xf32>
    %dot_general3A_244 = arith.constant dense<0.000000e+00> : vector<2000x256xf32>
    %dot_general3A_245 = tpu.matmul %mul3A_240, %get3A_243, %dot_general3A_244 {dimension_numbers = #tpu.dot_dimension_numbers<[1], [0], [0], [1], [0, 0, 1, 1], [], []>, transpose_lhs_hint = false} : vector<2000x64xf32>, vector<64x256xf32>, vector<2000x256xf32> -> vector<2000x256xf32>
    %get3A_246 = arith.constant 0 : index
    %get3A_247 = arith.constant 0 : index
    %get3A_248 = vector.load %arg8[%get3A_246, %get3A_247] : memref<1x256xf32, #tpu.memory_space<vmem>>, vector<1x256xf32>
    %add3A_249 = vector.broadcast %get3A_248 : vector<1x256xf32> to vector<2000x256xf32>
    %add3A_250 = arith.addf %dot_general3A_245, %add3A_249 : vector<2000x256xf32>
    %slice3A_251 = vector.extract_strided_slice %get3A_8 {offsets = [0, 80], sizes = [2000, 16], strides = [1, 1]} : vector<2000x128xf32> to vector<2000x16xf32>
    %slice3A_252 = vector.extract_strided_slice %get3A_11 {offsets = [0, 5], sizes = [2000, 1], strides = [1, 1]} : vector<2000x8xf32> to vector<2000x1xf32>
    %mul3A_253 = vector.broadcast %slice3A_252 : vector<2000x1xf32> to vector<2000x16xf32>
    %mul3A_254 = arith.mulf %slice3A_251, %mul3A_253 : vector<2000x16xf32>
    %get3A_255 = arith.constant 0 : index
    %get3A_256 = arith.constant 0 : index
    %get3A_257 = vector.load %arg9[%get3A_255, %get3A_256] : memref<16x256xf32, #tpu.memory_space<vmem>>, vector<16x256xf32>
    %dot_general3A_258 = arith.constant dense<0.000000e+00> : vector<2000x256xf32>
    %dot_general3A_259 = tpu.matmul %mul3A_254, %get3A_257, %dot_general3A_258 {dimension_numbers = #tpu.dot_dimension_numbers<[1], [0], [0], [1], [0, 0, 1, 1], [], []>, transpose_lhs_hint = false} : vector<2000x16xf32>, vector<16x256xf32>, vector<2000x256xf32> -> vector<2000x256xf32>
    %mul3A_260 = arith.mulf %add3A_250, %dot_general3A_259 : vector<2000x256xf32>
    %get3A_261 = arith.constant 0 : index
    %get3A_262 = arith.constant 0 : index
    %get3A_263 = vector.load %arg10[%get3A_261, %get3A_262] : memref<256x16xf32, #tpu.memory_space<vmem>>, vector<256x16xf32>
    %dot_general3A_264 = arith.constant dense<0.000000e+00> : vector<2000x16xf32>
    %dot_general3A_265 = tpu.matmul %mul3A_260, %get3A_263, %dot_general3A_264 {dimension_numbers = #tpu.dot_dimension_numbers<[1], [0], [0], [1], [0, 0, 1, 1], [], []>, transpose_lhs_hint = false} : vector<2000x256xf32>, vector<256x16xf32>, vector<2000x16xf32> -> vector<2000x16xf32>
    %slice3A_266 = vector.extract_strided_slice %dot_general3A_5 {offsets = [0, 96], sizes = [2000, 16], strides = [1, 1]} : vector<2000x128xf32> to vector<2000x16xf32>
    %get3A_267 = arith.constant 0 : index
    %get3A_268 = arith.constant 0 : index
    %get3A_269 = vector.load %arg5[%get3A_267, %get3A_268] : memref<16x64xf32, #tpu.memory_space<vmem>>, vector<16x64xf32>
    %dot_general3A_270 = arith.constant dense<0.000000e+00> : vector<2000x64xf32>
    %dot_general3A_271 = tpu.matmul %slice3A_266, %get3A_269, %dot_general3A_270 {dimension_numbers = #tpu.dot_dimension_numbers<[1], [0], [0], [1], [0, 0, 1, 1], [], []>, transpose_lhs_hint = false} : vector<2000x16xf32>, vector<16x64xf32>, vector<2000x64xf32> -> vector<2000x64xf32>
    %get3A_272 = arith.constant 0 : index
    %get3A_273 = arith.constant 0 : index
    %get3A_274 = vector.load %arg6[%get3A_272, %get3A_273] : memref<1x64xf32, #tpu.memory_space<vmem>>, vector<1x64xf32>
    %add3A_275 = vector.broadcast %get3A_274 : vector<1x64xf32> to vector<2000x64xf32>
    %add3A_276 = arith.addf %dot_general3A_271, %add3A_275 : vector<2000x64xf32>
    %logistic3A_277 = arith.negf %add3A_276 : vector<2000x64xf32>
    %logistic3A_278 = math.exp %logistic3A_277 : vector<2000x64xf32>
    %logistic3A_279 = arith.constant 1.000000e+00 : f32
    %logistic3A_280 = vector.broadcast %logistic3A_279 : f32 to vector<2000x64xf32>
    %logistic3A_281 = arith.addf %logistic3A_280, %logistic3A_278 : vector<2000x64xf32>
    %logistic3A_282 = arith.divf %logistic3A_280, %logistic3A_281 : vector<2000x64xf32>
    %mul3A_283 = arith.mulf %add3A_276, %logistic3A_282 : vector<2000x64xf32>
    %get3A_284 = arith.constant 0 : index
    %get3A_285 = arith.constant 0 : index
    %get3A_286 = vector.load %arg7[%get3A_284, %get3A_285] : memref<64x256xf32, #tpu.memory_space<vmem>>, vector<64x256xf32>
    %dot_general3A_287 = arith.constant dense<0.000000e+00> : vector<2000x256xf32>
    %dot_general3A_288 = tpu.matmul %mul3A_283, %get3A_286, %dot_general3A_287 {dimension_numbers = #tpu.dot_dimension_numbers<[1], [0], [0], [1], [0, 0, 1, 1], [], []>, transpose_lhs_hint = false} : vector<2000x64xf32>, vector<64x256xf32>, vector<2000x256xf32> -> vector<2000x256xf32>
    %get3A_289 = arith.constant 0 : index
    %get3A_290 = arith.constant 0 : index
    %get3A_291 = vector.load %arg8[%get3A_289, %get3A_290] : memref<1x256xf32, #tpu.memory_space<vmem>>, vector<1x256xf32>
    %add3A_292 = vector.broadcast %get3A_291 : vector<1x256xf32> to vector<2000x256xf32>
    %add3A_293 = arith.addf %dot_general3A_288, %add3A_292 : vector<2000x256xf32>
    %slice3A_294 = vector.extract_strided_slice %get3A_8 {offsets = [0, 96], sizes = [2000, 16], strides = [1, 1]} : vector<2000x128xf32> to vector<2000x16xf32>
    %slice3A_295 = vector.extract_strided_slice %get3A_11 {offsets = [0, 6], sizes = [2000, 1], strides = [1, 1]} : vector<2000x8xf32> to vector<2000x1xf32>
    %mul3A_296 = vector.broadcast %slice3A_295 : vector<2000x1xf32> to vector<2000x16xf32>
    %mul3A_297 = arith.mulf %slice3A_294, %mul3A_296 : vector<2000x16xf32>
    %get3A_298 = arith.constant 0 : index
    %get3A_299 = arith.constant 0 : index
    %get3A_300 = vector.load %arg9[%get3A_298, %get3A_299] : memref<16x256xf32, #tpu.memory_space<vmem>>, vector<16x256xf32>
    %dot_general3A_301 = arith.constant dense<0.000000e+00> : vector<2000x256xf32>
    %dot_general3A_302 = tpu.matmul %mul3A_297, %get3A_300, %dot_general3A_301 {dimension_numbers = #tpu.dot_dimension_numbers<[1], [0], [0], [1], [0, 0, 1, 1], [], []>, transpose_lhs_hint = false} : vector<2000x16xf32>, vector<16x256xf32>, vector<2000x256xf32> -> vector<2000x256xf32>
    %mul3A_303 = arith.mulf %add3A_293, %dot_general3A_302 : vector<2000x256xf32>
    %get3A_304 = arith.constant 0 : index
    %get3A_305 = arith.constant 0 : index
    %get3A_306 = vector.load %arg10[%get3A_304, %get3A_305] : memref<256x16xf32, #tpu.memory_space<vmem>>, vector<256x16xf32>
    %dot_general3A_307 = arith.constant dense<0.000000e+00> : vector<2000x16xf32>
    %dot_general3A_308 = tpu.matmul %mul3A_303, %get3A_306, %dot_general3A_307 {dimension_numbers = #tpu.dot_dimension_numbers<[1], [0], [0], [1], [0, 0, 1, 1], [], []>, transpose_lhs_hint = false} : vector<2000x256xf32>, vector<256x16xf32>, vector<2000x16xf32> -> vector<2000x16xf32>
    %slice3A_309 = vector.extract_strided_slice %dot_general3A_5 {offsets = [0, 112], sizes = [2000, 16], strides = [1, 1]} : vector<2000x128xf32> to vector<2000x16xf32>
    %get3A_310 = arith.constant 0 : index
    %get3A_311 = arith.constant 0 : index
    %get3A_312 = vector.load %arg5[%get3A_310, %get3A_311] : memref<16x64xf32, #tpu.memory_space<vmem>>, vector<16x64xf32>
    %dot_general3A_313 = arith.constant dense<0.000000e+00> : vector<2000x64xf32>
    %dot_general3A_314 = tpu.matmul %slice3A_309, %get3A_312, %dot_general3A_313 {dimension_numbers = #tpu.dot_dimension_numbers<[1], [0], [0], [1], [0, 0, 1, 1], [], []>, transpose_lhs_hint = false} : vector<2000x16xf32>, vector<16x64xf32>, vector<2000x64xf32> -> vector<2000x64xf32>
    %get3A_315 = arith.constant 0 : index
    %get3A_316 = arith.constant 0 : index
    %get3A_317 = vector.load %arg6[%get3A_315, %get3A_316] : memref<1x64xf32, #tpu.memory_space<vmem>>, vector<1x64xf32>
    %add3A_318 = vector.broadcast %get3A_317 : vector<1x64xf32> to vector<2000x64xf32>
    %add3A_319 = arith.addf %dot_general3A_314, %add3A_318 : vector<2000x64xf32>
    %logistic3A_320 = arith.negf %add3A_319 : vector<2000x64xf32>
    %logistic3A_321 = math.exp %logistic3A_320 : vector<2000x64xf32>
    %logistic3A_322 = arith.constant 1.000000e+00 : f32
    %logistic3A_323 = vector.broadcast %logistic3A_322 : f32 to vector<2000x64xf32>
    %logistic3A_324 = arith.addf %logistic3A_323, %logistic3A_321 : vector<2000x64xf32>
    %logistic3A_325 = arith.divf %logistic3A_323, %logistic3A_324 : vector<2000x64xf32>
    %mul3A_326 = arith.mulf %add3A_319, %logistic3A_325 : vector<2000x64xf32>
    %get3A_327 = arith.constant 0 : index
    %get3A_328 = arith.constant 0 : index
    %get3A_329 = vector.load %arg7[%get3A_327, %get3A_328] : memref<64x256xf32, #tpu.memory_space<vmem>>, vector<64x256xf32>
    %dot_general3A_330 = arith.constant dense<0.000000e+00> : vector<2000x256xf32>
    %dot_general3A_331 = tpu.matmul %mul3A_326, %get3A_329, %dot_general3A_330 {dimension_numbers = #tpu.dot_dimension_numbers<[1], [0], [0], [1], [0, 0, 1, 1], [], []>, transpose_lhs_hint = false} : vector<2000x64xf32>, vector<64x256xf32>, vector<2000x256xf32> -> vector<2000x256xf32>
    %get3A_332 = arith.constant 0 : index
    %get3A_333 = arith.constant 0 : index
    %get3A_334 = vector.load %arg8[%get3A_332, %get3A_333] : memref<1x256xf32, #tpu.memory_space<vmem>>, vector<1x256xf32>
    %add3A_335 = vector.broadcast %get3A_334 : vector<1x256xf32> to vector<2000x256xf32>
    %add3A_336 = arith.addf %dot_general3A_331, %add3A_335 : vector<2000x256xf32>
    %slice3A_337 = vector.extract_strided_slice %get3A_8 {offsets = [0, 112], sizes = [2000, 16], strides = [1, 1]} : vector<2000x128xf32> to vector<2000x16xf32>
    %slice3A_338 = vector.extract_strided_slice %get3A_11 {offsets = [0, 7], sizes = [2000, 1], strides = [1, 1]} : vector<2000x8xf32> to vector<2000x1xf32>
    %mul3A_339 = vector.broadcast %slice3A_338 : vector<2000x1xf32> to vector<2000x16xf32>
    %mul3A_340 = arith.mulf %slice3A_337, %mul3A_339 : vector<2000x16xf32>
    %get3A_341 = arith.constant 0 : index
    %get3A_342 = arith.constant 0 : index
    %get3A_343 = vector.load %arg9[%get3A_341, %get3A_342] : memref<16x256xf32, #tpu.memory_space<vmem>>, vector<16x256xf32>
    %dot_general3A_344 = arith.constant dense<0.000000e+00> : vector<2000x256xf32>
    %dot_general3A_345 = tpu.matmul %mul3A_340, %get3A_343, %dot_general3A_344 {dimension_numbers = #tpu.dot_dimension_numbers<[1], [0], [0], [1], [0, 0, 1, 1], [], []>, transpose_lhs_hint = false} : vector<2000x16xf32>, vector<16x256xf32>, vector<2000x256xf32> -> vector<2000x256xf32>
    %mul3A_346 = arith.mulf %add3A_336, %dot_general3A_345 : vector<2000x256xf32>
    %get3A_347 = arith.constant 0 : index
    %get3A_348 = arith.constant 0 : index
    %get3A_349 = vector.load %arg10[%get3A_347, %get3A_348] : memref<256x16xf32, #tpu.memory_space<vmem>>, vector<256x16xf32>
    %dot_general3A_350 = arith.constant dense<0.000000e+00> : vector<2000x16xf32>
    %dot_general3A_351 = tpu.matmul %mul3A_346, %get3A_349, %dot_general3A_350 {dimension_numbers = #tpu.dot_dimension_numbers<[1], [0], [0], [1], [0, 0, 1, 1], [], []>, transpose_lhs_hint = false} : vector<2000x256xf32>, vector<256x16xf32>, vector<2000x16xf32> -> vector<2000x16xf32>
    %concatenate3A = tpu.concatenate %dot_general3A_50, %dot_general3A_93, %dot_general3A_136, %dot_general3A_179, %dot_general3A_222, %dot_general3A_265, %dot_general3A_308, %dot_general3A_351 in 1 : vector<2000x16xf32>, vector<2000x16xf32>, vector<2000x16xf32>, vector<2000x16xf32>, vector<2000x16xf32>, vector<2000x16xf32>, vector<2000x16xf32>, vector<2000x16xf32> -> vector<2000x128xf32>
    %swap3A = arith.constant 0 : index
    %swap3A_352 = arith.constant 0 : index
    %swap3A_353 = vector.load %arg11[%swap3A, %swap3A_352] : memref<2000x128xf32, #tpu.memory_space<vmem>>, vector<2000x128xf32>
    tpu.vector_store %arg11[%swap3A, %swap3A_352], %concatenate3A {strides = array<i32>} : memref<2000x128xf32, #tpu.memory_space<vmem>>, vector<2000x128xf32>,
    return
  }
  func.func @transform_0(%arg0: i32) -> (i32, i32) {
    %c0_i32 = arith.constant 0 : i32
    %c0_i32_0 = arith.constant 0 : i32
    return %arg0, %c0_i32 : i32, i32
  }
  func.func @transform_1(%arg0: i32) -> (i32, i32) {
    %c0_i32 = arith.constant 0 : i32
    %c0_i32_0 = arith.constant 0 : i32
    %c0_i32_1 = arith.constant 0 : i32
    return %c0_i32, %c0_i32_0 : i32, i32
  }
  func.func @transform_2(%arg0: i32) -> (i32, i32) {
    %c0_i32 = arith.constant 0 : i32
    %c0_i32_0 = arith.constant 0 : i32
    return %arg0, %c0_i32 : i32, i32
  }
  func.func @transform_3(%arg0: i32) -> (i32, i32) {
    %c0_i32 = arith.constant 0 : i32
    %c0_i32_0 = arith.constant 0 : i32
    return %arg0, %c0_i32 : i32, i32
  }
  func.func @transform_4(%arg0: i32) -> (i32, i32) {
    %c0_i32 = arith.constant 0 : i32
    %c0_i32_0 = arith.constant 0 : i32
    %c0_i32_1 = arith.constant 0 : i32
    return %c0_i32, %c0_i32_0 : i32, i32
  }
  func.func @transform_5(%arg0: i32) -> (i32, i32) {
    %c0_i32 = arith.constant 0 : i32
    %c0_i32_0 = arith.constant 0 : i32
    %c0_i32_1 = arith.constant 0 : i32
    return %c0_i32, %c0_i32_0 : i32, i32
  }
  func.func @transform_6(%arg0: i32) -> (i32, i32) {
    %c0_i32 = arith.constant 0 : i32
    %c0_i32_0 = arith.constant 0 : i32
    %c0_i32_1 = arith.constant 0 : i32
    return %c0_i32, %c0_i32_0 : i32, i32
  }
  func.func @transform_7(%arg0: i32) -> (i32, i32) {
    %c0_i32 = arith.constant 0 : i32
    %c0_i32_0 = arith.constant 0 : i32
    %c0_i32_1 = arith.constant 0 : i32
    return %c0_i32, %c0_i32_0 : i32, i32
  }
  func.func @transform_8(%arg0: i32) -> (i32, i32) {
    %c0_i32 = arith.constant 0 : i32
    %c0_i32_0 = arith.constant 0 : i32
    %c0_i32_1 = arith.constant 0 : i32
    return %c0_i32, %c0_i32_0 : i32, i32
  }
  func.func @transform_9(%arg0: i32) -> (i32, i32) {
    %c0_i32 = arith.constant 0 : i32
    %c0_i32_0 = arith.constant 0 : i32
    %c0_i32_1 = arith.constant 0 : i32
    return %c0_i32, %c0_i32_0 : i32, i32
  }
  func.func @transform_10(%arg0: i32) -> (i32, i32) {
    %c0_i32 = arith.constant 0 : i32
    %c0_i32_0 = arith.constant 0 : i32
    return %arg0, %c0_i32 : i32, i32
  }
}

module attributes {stable_mosaic.version = 14 : i64} {
  func.func @_final_body(%arg0: memref<2500x128xf32, #tpu.memory_space<vmem>>, %arg1: memref<1250x128xf32, #tpu.memory_space<vmem>>, %arg2: memref<16x16xf32, #tpu.memory_space<vmem>>, %arg3: memref<1250x128xf32, #tpu.memory_space<vmem>>) attributes {dimension_semantics = [], scalar_prefetch = 0 : i64, scratch_operands = 0 : i64, tpu.core_type = #tpu.core_type<tc>} {
    %get3A = arith.constant 0 : index
    %get3A_0 = arith.constant 0 : index
    %get3A_1 = vector.load %arg0[%get3A, %get3A_0] : memref<2500x128xf32, #tpu.memory_space<vmem>>, vector<1250x128xf32>
    %get3A_2 = arith.constant 1250 : index
    %get3A_3 = arith.constant 0 : index
    %get3A_4 = vector.load %arg0[%get3A_2, %get3A_3] : memref<2500x128xf32, #tpu.memory_space<vmem>>, vector<1250x128xf32>
    %add3A = arith.addf %get3A_1, %get3A_4 : vector<1250x128xf32>
    %slice3A = vector.extract_strided_slice %add3A {offsets = [0, 0], sizes = [1250, 16], strides = [1, 1]} : vector<1250x128xf32> to vector<1250x16xf32>
    %get3A_5 = arith.constant 0 : index
    %get3A_6 = arith.constant 0 : index
    %get3A_7 = vector.load %arg2[%get3A_5, %get3A_6] : memref<16x16xf32, #tpu.memory_space<vmem>>, vector<16x16xf32>
    %dot_general3A = arith.constant dense<0.000000e+00> : vector<1250x16xf32>
    %dot_general3A_8 = tpu.matmul %slice3A, %get3A_7, %dot_general3A {dimension_numbers = #tpu.dot_dimension_numbers<[1], [0], [0], [1], [0, 0, 1, 1], [], []>, transpose_lhs_hint = false} : vector<1250x16xf32>, vector<16x16xf32>, vector<1250x16xf32> -> vector<1250x16xf32>
    %abs3A = math.absf %dot_general3A_8 : vector<1250x16xf32>
    %logistic3A = arith.negf %abs3A : vector<1250x16xf32>
    %logistic3A_9 = math.exp %logistic3A : vector<1250x16xf32>
    %logistic3A_10 = arith.constant 1.000000e+00 : f32
    %logistic3A_11 = vector.broadcast %logistic3A_10 : f32 to vector<1250x16xf32>
    %logistic3A_12 = arith.addf %logistic3A_11, %logistic3A_9 : vector<1250x16xf32>
    %logistic3A_13 = arith.divf %logistic3A_11, %logistic3A_12 : vector<1250x16xf32>
    %mul3A = arith.mulf %abs3A, %logistic3A_13 : vector<1250x16xf32>
    %mul3A_14 = arith.mulf %mul3A, %dot_general3A_8 : vector<1250x16xf32>
    %add3A_15 = arith.constant 9.99999993E-9 : f32
    %add3A_16 = vector.broadcast %add3A_15 : f32 to vector<1250x16xf32>
    %add3A_17 = arith.addf %abs3A, %add3A_16 : vector<1250x16xf32>
    %div3A = arith.divf %mul3A_14, %add3A_17 : vector<1250x16xf32>
    %get3A_18 = arith.constant 0 : index
    %get3A_19 = arith.constant 0 : index
    %get3A_20 = vector.load %arg1[%get3A_18, %get3A_19] : memref<1250x128xf32, #tpu.memory_space<vmem>>, vector<1250x16xf32>
    %add3A_21 = arith.addf %get3A_20, %div3A : vector<1250x16xf32>
    %slice3A_22 = vector.extract_strided_slice %add3A {offsets = [0, 16], sizes = [1250, 16], strides = [1, 1]} : vector<1250x128xf32> to vector<1250x16xf32>
    %get3A_23 = arith.constant 0 : index
    %get3A_24 = arith.constant 0 : index
    %get3A_25 = vector.load %arg2[%get3A_23, %get3A_24] : memref<16x16xf32, #tpu.memory_space<vmem>>, vector<16x16xf32>
    %dot_general3A_26 = arith.constant dense<0.000000e+00> : vector<1250x16xf32>
    %dot_general3A_27 = tpu.matmul %slice3A_22, %get3A_25, %dot_general3A_26 {dimension_numbers = #tpu.dot_dimension_numbers<[1], [0], [0], [1], [0, 0, 1, 1], [], []>, transpose_lhs_hint = false} : vector<1250x16xf32>, vector<16x16xf32>, vector<1250x16xf32> -> vector<1250x16xf32>
    %abs3A_28 = math.absf %dot_general3A_27 : vector<1250x16xf32>
    %logistic3A_29 = arith.negf %abs3A_28 : vector<1250x16xf32>
    %logistic3A_30 = math.exp %logistic3A_29 : vector<1250x16xf32>
    %logistic3A_31 = arith.constant 1.000000e+00 : f32
    %logistic3A_32 = vector.broadcast %logistic3A_31 : f32 to vector<1250x16xf32>
    %logistic3A_33 = arith.addf %logistic3A_32, %logistic3A_30 : vector<1250x16xf32>
    %logistic3A_34 = arith.divf %logistic3A_32, %logistic3A_33 : vector<1250x16xf32>
    %mul3A_35 = arith.mulf %abs3A_28, %logistic3A_34 : vector<1250x16xf32>
    %mul3A_36 = arith.mulf %mul3A_35, %dot_general3A_27 : vector<1250x16xf32>
    %add3A_37 = arith.constant 9.99999993E-9 : f32
    %add3A_38 = vector.broadcast %add3A_37 : f32 to vector<1250x16xf32>
    %add3A_39 = arith.addf %abs3A_28, %add3A_38 : vector<1250x16xf32>
    %div3A_40 = arith.divf %mul3A_36, %add3A_39 : vector<1250x16xf32>
    %get3A_41 = arith.constant 0 : index
    %get3A_42 = arith.constant 16 : index
    %get3A_43 = vector.load %arg1[%get3A_41, %get3A_42] : memref<1250x128xf32, #tpu.memory_space<vmem>>, vector<1250x16xf32>
    %add3A_44 = arith.addf %get3A_43, %div3A_40 : vector<1250x16xf32>
    %slice3A_45 = vector.extract_strided_slice %add3A {offsets = [0, 32], sizes = [1250, 16], strides = [1, 1]} : vector<1250x128xf32> to vector<1250x16xf32>
    %get3A_46 = arith.constant 0 : index
    %get3A_47 = arith.constant 0 : index
    %get3A_48 = vector.load %arg2[%get3A_46, %get3A_47] : memref<16x16xf32, #tpu.memory_space<vmem>>, vector<16x16xf32>
    %dot_general3A_49 = arith.constant dense<0.000000e+00> : vector<1250x16xf32>
    %dot_general3A_50 = tpu.matmul %slice3A_45, %get3A_48, %dot_general3A_49 {dimension_numbers = #tpu.dot_dimension_numbers<[1], [0], [0], [1], [0, 0, 1, 1], [], []>, transpose_lhs_hint = false} : vector<1250x16xf32>, vector<16x16xf32>, vector<1250x16xf32> -> vector<1250x16xf32>
    %abs3A_51 = math.absf %dot_general3A_50 : vector<1250x16xf32>
    %logistic3A_52 = arith.negf %abs3A_51 : vector<1250x16xf32>
    %logistic3A_53 = math.exp %logistic3A_52 : vector<1250x16xf32>
    %logistic3A_54 = arith.constant 1.000000e+00 : f32
    %logistic3A_55 = vector.broadcast %logistic3A_54 : f32 to vector<1250x16xf32>
    %logistic3A_56 = arith.addf %logistic3A_55, %logistic3A_53 : vector<1250x16xf32>
    %logistic3A_57 = arith.divf %logistic3A_55, %logistic3A_56 : vector<1250x16xf32>
    %mul3A_58 = arith.mulf %abs3A_51, %logistic3A_57 : vector<1250x16xf32>
    %mul3A_59 = arith.mulf %mul3A_58, %dot_general3A_50 : vector<1250x16xf32>
    %add3A_60 = arith.constant 9.99999993E-9 : f32
    %add3A_61 = vector.broadcast %add3A_60 : f32 to vector<1250x16xf32>
    %add3A_62 = arith.addf %abs3A_51, %add3A_61 : vector<1250x16xf32>
    %div3A_63 = arith.divf %mul3A_59, %add3A_62 : vector<1250x16xf32>
    %get3A_64 = arith.constant 0 : index
    %get3A_65 = arith.constant 32 : index
    %get3A_66 = vector.load %arg1[%get3A_64, %get3A_65] : memref<1250x128xf32, #tpu.memory_space<vmem>>, vector<1250x16xf32>
    %add3A_67 = arith.addf %get3A_66, %div3A_63 : vector<1250x16xf32>
    %slice3A_68 = vector.extract_strided_slice %add3A {offsets = [0, 48], sizes = [1250, 16], strides = [1, 1]} : vector<1250x128xf32> to vector<1250x16xf32>
    %get3A_69 = arith.constant 0 : index
    %get3A_70 = arith.constant 0 : index
    %get3A_71 = vector.load %arg2[%get3A_69, %get3A_70] : memref<16x16xf32, #tpu.memory_space<vmem>>, vector<16x16xf32>
    %dot_general3A_72 = arith.constant dense<0.000000e+00> : vector<1250x16xf32>
    %dot_general3A_73 = tpu.matmul %slice3A_68, %get3A_71, %dot_general3A_72 {dimension_numbers = #tpu.dot_dimension_numbers<[1], [0], [0], [1], [0, 0, 1, 1], [], []>, transpose_lhs_hint = false} : vector<1250x16xf32>, vector<16x16xf32>, vector<1250x16xf32> -> vector<1250x16xf32>
    %abs3A_74 = math.absf %dot_general3A_73 : vector<1250x16xf32>
    %logistic3A_75 = arith.negf %abs3A_74 : vector<1250x16xf32>
    %logistic3A_76 = math.exp %logistic3A_75 : vector<1250x16xf32>
    %logistic3A_77 = arith.constant 1.000000e+00 : f32
    %logistic3A_78 = vector.broadcast %logistic3A_77 : f32 to vector<1250x16xf32>
    %logistic3A_79 = arith.addf %logistic3A_78, %logistic3A_76 : vector<1250x16xf32>
    %logistic3A_80 = arith.divf %logistic3A_78, %logistic3A_79 : vector<1250x16xf32>
    %mul3A_81 = arith.mulf %abs3A_74, %logistic3A_80 : vector<1250x16xf32>
    %mul3A_82 = arith.mulf %mul3A_81, %dot_general3A_73 : vector<1250x16xf32>
    %add3A_83 = arith.constant 9.99999993E-9 : f32
    %add3A_84 = vector.broadcast %add3A_83 : f32 to vector<1250x16xf32>
    %add3A_85 = arith.addf %abs3A_74, %add3A_84 : vector<1250x16xf32>
    %div3A_86 = arith.divf %mul3A_82, %add3A_85 : vector<1250x16xf32>
    %get3A_87 = arith.constant 0 : index
    %get3A_88 = arith.constant 48 : index
    %get3A_89 = vector.load %arg1[%get3A_87, %get3A_88] : memref<1250x128xf32, #tpu.memory_space<vmem>>, vector<1250x16xf32>
    %add3A_90 = arith.addf %get3A_89, %div3A_86 : vector<1250x16xf32>
    %slice3A_91 = vector.extract_strided_slice %add3A {offsets = [0, 64], sizes = [1250, 16], strides = [1, 1]} : vector<1250x128xf32> to vector<1250x16xf32>
    %get3A_92 = arith.constant 0 : index
    %get3A_93 = arith.constant 0 : index
    %get3A_94 = vector.load %arg2[%get3A_92, %get3A_93] : memref<16x16xf32, #tpu.memory_space<vmem>>, vector<16x16xf32>
    %dot_general3A_95 = arith.constant dense<0.000000e+00> : vector<1250x16xf32>
    %dot_general3A_96 = tpu.matmul %slice3A_91, %get3A_94, %dot_general3A_95 {dimension_numbers = #tpu.dot_dimension_numbers<[1], [0], [0], [1], [0, 0, 1, 1], [], []>, transpose_lhs_hint = false} : vector<1250x16xf32>, vector<16x16xf32>, vector<1250x16xf32> -> vector<1250x16xf32>
    %abs3A_97 = math.absf %dot_general3A_96 : vector<1250x16xf32>
    %logistic3A_98 = arith.negf %abs3A_97 : vector<1250x16xf32>
    %logistic3A_99 = math.exp %logistic3A_98 : vector<1250x16xf32>
    %logistic3A_100 = arith.constant 1.000000e+00 : f32
    %logistic3A_101 = vector.broadcast %logistic3A_100 : f32 to vector<1250x16xf32>
    %logistic3A_102 = arith.addf %logistic3A_101, %logistic3A_99 : vector<1250x16xf32>
    %logistic3A_103 = arith.divf %logistic3A_101, %logistic3A_102 : vector<1250x16xf32>
    %mul3A_104 = arith.mulf %abs3A_97, %logistic3A_103 : vector<1250x16xf32>
    %mul3A_105 = arith.mulf %mul3A_104, %dot_general3A_96 : vector<1250x16xf32>
    %add3A_106 = arith.constant 9.99999993E-9 : f32
    %add3A_107 = vector.broadcast %add3A_106 : f32 to vector<1250x16xf32>
    %add3A_108 = arith.addf %abs3A_97, %add3A_107 : vector<1250x16xf32>
    %div3A_109 = arith.divf %mul3A_105, %add3A_108 : vector<1250x16xf32>
    %get3A_110 = arith.constant 0 : index
    %get3A_111 = arith.constant 64 : index
    %get3A_112 = vector.load %arg1[%get3A_110, %get3A_111] : memref<1250x128xf32, #tpu.memory_space<vmem>>, vector<1250x16xf32>
    %add3A_113 = arith.addf %get3A_112, %div3A_109 : vector<1250x16xf32>
    %slice3A_114 = vector.extract_strided_slice %add3A {offsets = [0, 80], sizes = [1250, 16], strides = [1, 1]} : vector<1250x128xf32> to vector<1250x16xf32>
    %get3A_115 = arith.constant 0 : index
    %get3A_116 = arith.constant 0 : index
    %get3A_117 = vector.load %arg2[%get3A_115, %get3A_116] : memref<16x16xf32, #tpu.memory_space<vmem>>, vector<16x16xf32>
    %dot_general3A_118 = arith.constant dense<0.000000e+00> : vector<1250x16xf32>
    %dot_general3A_119 = tpu.matmul %slice3A_114, %get3A_117, %dot_general3A_118 {dimension_numbers = #tpu.dot_dimension_numbers<[1], [0], [0], [1], [0, 0, 1, 1], [], []>, transpose_lhs_hint = false} : vector<1250x16xf32>, vector<16x16xf32>, vector<1250x16xf32> -> vector<1250x16xf32>
    %abs3A_120 = math.absf %dot_general3A_119 : vector<1250x16xf32>
    %logistic3A_121 = arith.negf %abs3A_120 : vector<1250x16xf32>
    %logistic3A_122 = math.exp %logistic3A_121 : vector<1250x16xf32>
    %logistic3A_123 = arith.constant 1.000000e+00 : f32
    %logistic3A_124 = vector.broadcast %logistic3A_123 : f32 to vector<1250x16xf32>
    %logistic3A_125 = arith.addf %logistic3A_124, %logistic3A_122 : vector<1250x16xf32>
    %logistic3A_126 = arith.divf %logistic3A_124, %logistic3A_125 : vector<1250x16xf32>
    %mul3A_127 = arith.mulf %abs3A_120, %logistic3A_126 : vector<1250x16xf32>
    %mul3A_128 = arith.mulf %mul3A_127, %dot_general3A_119 : vector<1250x16xf32>
    %add3A_129 = arith.constant 9.99999993E-9 : f32
    %add3A_130 = vector.broadcast %add3A_129 : f32 to vector<1250x16xf32>
    %add3A_131 = arith.addf %abs3A_120, %add3A_130 : vector<1250x16xf32>
    %div3A_132 = arith.divf %mul3A_128, %add3A_131 : vector<1250x16xf32>
    %get3A_133 = arith.constant 0 : index
    %get3A_134 = arith.constant 80 : index
    %get3A_135 = vector.load %arg1[%get3A_133, %get3A_134] : memref<1250x128xf32, #tpu.memory_space<vmem>>, vector<1250x16xf32>
    %add3A_136 = arith.addf %get3A_135, %div3A_132 : vector<1250x16xf32>
    %slice3A_137 = vector.extract_strided_slice %add3A {offsets = [0, 96], sizes = [1250, 16], strides = [1, 1]} : vector<1250x128xf32> to vector<1250x16xf32>
    %get3A_138 = arith.constant 0 : index
    %get3A_139 = arith.constant 0 : index
    %get3A_140 = vector.load %arg2[%get3A_138, %get3A_139] : memref<16x16xf32, #tpu.memory_space<vmem>>, vector<16x16xf32>
    %dot_general3A_141 = arith.constant dense<0.000000e+00> : vector<1250x16xf32>
    %dot_general3A_142 = tpu.matmul %slice3A_137, %get3A_140, %dot_general3A_141 {dimension_numbers = #tpu.dot_dimension_numbers<[1], [0], [0], [1], [0, 0, 1, 1], [], []>, transpose_lhs_hint = false} : vector<1250x16xf32>, vector<16x16xf32>, vector<1250x16xf32> -> vector<1250x16xf32>
    %abs3A_143 = math.absf %dot_general3A_142 : vector<1250x16xf32>
    %logistic3A_144 = arith.negf %abs3A_143 : vector<1250x16xf32>
    %logistic3A_145 = math.exp %logistic3A_144 : vector<1250x16xf32>
    %logistic3A_146 = arith.constant 1.000000e+00 : f32
    %logistic3A_147 = vector.broadcast %logistic3A_146 : f32 to vector<1250x16xf32>
    %logistic3A_148 = arith.addf %logistic3A_147, %logistic3A_145 : vector<1250x16xf32>
    %logistic3A_149 = arith.divf %logistic3A_147, %logistic3A_148 : vector<1250x16xf32>
    %mul3A_150 = arith.mulf %abs3A_143, %logistic3A_149 : vector<1250x16xf32>
    %mul3A_151 = arith.mulf %mul3A_150, %dot_general3A_142 : vector<1250x16xf32>
    %add3A_152 = arith.constant 9.99999993E-9 : f32
    %add3A_153 = vector.broadcast %add3A_152 : f32 to vector<1250x16xf32>
    %add3A_154 = arith.addf %abs3A_143, %add3A_153 : vector<1250x16xf32>
    %div3A_155 = arith.divf %mul3A_151, %add3A_154 : vector<1250x16xf32>
    %get3A_156 = arith.constant 0 : index
    %get3A_157 = arith.constant 96 : index
    %get3A_158 = vector.load %arg1[%get3A_156, %get3A_157] : memref<1250x128xf32, #tpu.memory_space<vmem>>, vector<1250x16xf32>
    %add3A_159 = arith.addf %get3A_158, %div3A_155 : vector<1250x16xf32>
    %slice3A_160 = vector.extract_strided_slice %add3A {offsets = [0, 112], sizes = [1250, 16], strides = [1, 1]} : vector<1250x128xf32> to vector<1250x16xf32>
    %get3A_161 = arith.constant 0 : index
    %get3A_162 = arith.constant 0 : index
    %get3A_163 = vector.load %arg2[%get3A_161, %get3A_162] : memref<16x16xf32, #tpu.memory_space<vmem>>, vector<16x16xf32>
    %dot_general3A_164 = arith.constant dense<0.000000e+00> : vector<1250x16xf32>
    %dot_general3A_165 = tpu.matmul %slice3A_160, %get3A_163, %dot_general3A_164 {dimension_numbers = #tpu.dot_dimension_numbers<[1], [0], [0], [1], [0, 0, 1, 1], [], []>, transpose_lhs_hint = false} : vector<1250x16xf32>, vector<16x16xf32>, vector<1250x16xf32> -> vector<1250x16xf32>
    %abs3A_166 = math.absf %dot_general3A_165 : vector<1250x16xf32>
    %logistic3A_167 = arith.negf %abs3A_166 : vector<1250x16xf32>
    %logistic3A_168 = math.exp %logistic3A_167 : vector<1250x16xf32>
    %logistic3A_169 = arith.constant 1.000000e+00 : f32
    %logistic3A_170 = vector.broadcast %logistic3A_169 : f32 to vector<1250x16xf32>
    %logistic3A_171 = arith.addf %logistic3A_170, %logistic3A_168 : vector<1250x16xf32>
    %logistic3A_172 = arith.divf %logistic3A_170, %logistic3A_171 : vector<1250x16xf32>
    %mul3A_173 = arith.mulf %abs3A_166, %logistic3A_172 : vector<1250x16xf32>
    %mul3A_174 = arith.mulf %mul3A_173, %dot_general3A_165 : vector<1250x16xf32>
    %add3A_175 = arith.constant 9.99999993E-9 : f32
    %add3A_176 = vector.broadcast %add3A_175 : f32 to vector<1250x16xf32>
    %add3A_177 = arith.addf %abs3A_166, %add3A_176 : vector<1250x16xf32>
    %div3A_178 = arith.divf %mul3A_174, %add3A_177 : vector<1250x16xf32>
    %get3A_179 = arith.constant 0 : index
    %get3A_180 = arith.constant 112 : index
    %get3A_181 = vector.load %arg1[%get3A_179, %get3A_180] : memref<1250x128xf32, #tpu.memory_space<vmem>>, vector<1250x16xf32>
    %add3A_182 = arith.addf %get3A_181, %div3A_178 : vector<1250x16xf32>
    %concatenate3A = tpu.concatenate %add3A_21, %add3A_44, %add3A_67, %add3A_90, %add3A_113, %add3A_136, %add3A_159, %add3A_182 in 1 : vector<1250x16xf32>, vector<1250x16xf32>, vector<1250x16xf32>, vector<1250x16xf32>, vector<1250x16xf32>, vector<1250x16xf32>, vector<1250x16xf32>, vector<1250x16xf32> -> vector<1250x128xf32>
    %swap3A = arith.constant 0 : index
    %swap3A_183 = arith.constant 0 : index
    %swap3A_184 = vector.load %arg3[%swap3A, %swap3A_183] : memref<1250x128xf32, #tpu.memory_space<vmem>>, vector<1250x128xf32>
    tpu.vector_store %arg3[%swap3A, %swap3A_183], %concatenate3A {strides = array<i32>} : memref<1250x128xf32, #tpu.memory_space<vmem>>, vector<1250x128xf32>,
    return
  }
}

</mosaic_0001>

<sc_bundles>
// kernel: kernel.6.cloned.1.call-start
scs
__scs_entry_jumppad:
0x0: {  	(pc) =	sbr.rel $0x88, $3  }
0x1: {  	(tag) =	ssettag $0x0;
	lr =	simm.s32 $0x1  }
0x2: {  	[smem:$0x3F98] =	sst lr;
	_ =	strace $0xD0000000  }
0x3: {  	_ = 	snop  }
0x4: {  	_ = 	snop  }
0x5: {  	_ = 	snop  }
0x6: {  	_ = 	snop  }
0x7: {  	_ = 	snop  }
__scs_overlays_trampoline_lowered:
0x8: {  	[smem:$0x3FA7] =	sst s0  }
0x9: {  	[smem:$0x3FA8] =	sst s1  }
0xa: {  	[smem:$0x3FA9] =	sst s2  }
0xb: {  	[smem:$0x3FAA] =	sst s3  }
0xc: {  	[smem:$0x3FAB] =	sst s4  }
0xd: {  	[smem:$0x3FAC] =	sst s5  }
0xe: {  	[smem:$0x3FAD] =	sst s6  }
0xf: {  	[smem:$0x3FAE] =	sst s7  }
0x10: {  	[smem:$0x3FAF] =	sst s8  }
0x11: {  	[smem:$0x3FB0] =	sst s9;
	s0 =	simm.s32 @!p0 $0x0  }
0x12: {  	s1 =	sld [smem:$0x3F96];
	s0 =	simm.s32 @p0 $0x1  }
0x13: {  	[smem:$0x3FB1] =	sst s0;
	s0 =	simm.s32 @!p1 $0x0  }
0x14: {  	s2 =	sld [smem:$0x3F95];
	s0 =	simm.s32 @p1 $0x1  }
0x15: {  	[smem:$0x3FB2] =	sst s0;
	s0 =	simm.s32 @!p2 $0x0  }
0x16: {  	s3 =	sld [smem:$0x3FDB];
	s0 =	simm.s32 @p2 $0x1  }
0x17: {  	s4 =	simm.s32 $0x1BF5;
	[smem:$0x3FB4] =	sst s0  }
0x18: {  	s0 =	sld [smem:$0x3F97];
	_ =	swait.ge [sflag:s4], $0x0  }
0x19: {  	s7 =	sld [smem:$0x3F98]  }
0x1a: {  	s8 =	sadd.s32 $0xFFFFE003, lr  }
0x1b: {  	s9 =	sadd.s32 $0xFFFFFEF7, lr;
	s5 =	simm.s32 $0xFFFFFFFF;
	p2 =	slt.u32 s8, $0xFFFFF086  }
0x1c: {  	p1 =	slt.u32 s9, $0xF7A;
	s5 =	simm.s32 @!p2 $0x0  }
0x1d: {  	s5 =	simm.s32 @p1 $0x1;
	p0 =	seq.s32 s7, s2  }
0x1e: {  	s7 =	smul.u32 @!p0 $0xF7A, s2;
	p2 =	seq.s32 @!p0 s5, $0x0  }
0x1f: {  	s9 =	smul.u32 $0xF7A, s1;
	s8 =	simm.s32 @!p0 $0x1BF5;
	p2 =	por !p2, p0  }
0x20: {  	[sflag:s8] =	ssyncset.s32 @!p0 $0xFFFFF086;
	s6 =	sadd.s32 @!p0 s3, s7;
	s7 =	simm.s32 @!p0 $0x108  }
0x21: {  	s3 =	sadd.s32 s3, s9;
	s6 =	sadd.s32 @!p0 $0x88, s6;
	s7 =	simm.s32 @p2 $0x1082  }
0x22: {  	[simem:s7], [sflag:s8] =	dma.local @!p0 [hbm:s6], $0xF7A  }
0x23: {  	s9 =	sor.u32 $0xD0000000, s2;
	s6 =	simm.s32 $0x108;
	_ =	swait.ge @!p0 [sflag:s8], $0x0  }
0x24: {  	s3 =	sadd.s32 $0x88, s3;
	s6 =	simm.s32 @!p1 $0x1082;
	[sflag:s4] =	ssyncset.s32 $0xFFFFF086  }
0x25: {  	[simem:s6], [sflag:s4] =	dma.local [hbm:s3], $0xF7A  }
0x26: {  	[smem:$0x3F98] =	sst s1;
	(tag) =	ssettag s2;
	_ =	strace s9  }
0x27: {  	s1 =	sld [smem:$0x3FA8]  }
0x28: {  	s2 =	sld [smem:$0x3FA9]  }
0x29: {  	s4 =	sld [smem:$0x3FAB]  }
0x2a: {  	p0 =	seq.s32 s5, $0x0;
	s5 =	sld [smem:$0x3FAC]  }
0x2b: {  	s6 =	sld [smem:$0x3FAD]  }
0x2c: {  	s7 =	sld [smem:$0x3FAE]  }
0x2d: {  	s3 =	simm.s32 $0x108;
	s8 =	sld [smem:$0x3FAF]  }
0x2e: {  	s3 =	simm.s32 @!p0 $0x1082;
	s9 =	sld [smem:$0x3FB0]  }
0x2f: {  	lr =	sadd.s32 s0, s3;
	s0 =	sld [smem:$0x3FA7]  }
0x30: {  	s3 =	sld [smem:$0x3FAA]  }
0x31: {  	[smem:$0x3FB3] =	sst s10  }
0x32: {  	s10 =	sld [smem:$0x3FB1];
	_ =	sdelay $0x3  }
0x33: {  	p0 =	seq.s32 s10, $0x1;
	s10 =	sld [smem:$0x3FB3];
	_ =	sdelay $0x3  }
0x34: {  	[smem:$0x3FB3] =	sst s10  }
0x35: {  	s10 =	sld [smem:$0x3FB2];
	_ =	sdelay $0x3  }
0x36: {  	p1 =	seq.s32 s10, $0x1;
	s10 =	sld [smem:$0x3FB3];
	_ =	sdelay $0x3  }
0x37: {  	[smem:$0x3FB3] =	sst s10  }
0x38: {  	s10 =	sld [smem:$0x3FB4]  }
0x39: {  	_ = 	snop;
	(pc) =	sbr.ind lr, $3  }
0x3a: {  	_ = 	snop  }
0x3b: {  	_ = 	snop  }
0x3c: {  	p2 =	seq.s32 s10, $0x1;
	s10 =	sld [smem:$0x3FB3]  }
0x3d: {  	_ =	shalt  }
0x3e: {  	_ =	shalt  }
0x3f: {  	_ =	shalt  }
0x40: {  	_ =	shalt  }
0x41: {  	_ =	shalt  }
0x42: {  	_ =	shalt  }
0x43: {  	_ =	shalt  }
0x44: {  	_ =	shalt  }
0x45: {  	_ =	shalt  }
0x46: {  	_ =	shalt  }
0x47: {  	_ =	shalt  }
0x48: {  	_ =	shalt  }
0x49: {  	_ =	shalt  }
0x4a: {  	_ =	shalt  }
0x4b: {  	_ =	shalt  }
0x4c: {  	_ =	shalt  }
0x4d: {  	_ =	shalt  }
0x4e: {  	_ =	shalt  }
0x4f: {  	_ =	shalt  }
0x50: {  	_ =	shalt  }
0x51: {  	_ =	shalt  }
0x52: {  	_ =	shalt  }
0x53: {  	_ =	shalt  }
0x54: {  	_ =	shalt  }
0x55: {  	_ =	shalt  }
0x56: {  	_ =	shalt  }
0x57: {  	_ =	shalt  }
0x58: {  	_ =	shalt  }
0x59: {  	_ =	shalt  }
0x5a: {  	_ =	shalt  }
0x5b: {  	_ =	shalt  }
0x5c: {  	_ =	shalt  }
0x5d: {  	_ =	shalt  }
0x5e: {  	_ =	shalt  }
0x5f: {  	_ =	shalt  }
0x60: {  	_ =	shalt  }
0x61: {  	_ =	shalt  }
0x62: {  	_ =	shalt  }
0x63: {  	_ =	shalt  }
0x64: {  	_ =	shalt  }
0x65: {  	_ =	shalt  }
0x66: {  	_ =	shalt  }
0x67: {  	_ =	shalt  }
0x68: {  	_ =	shalt  }
0x69: {  	_ =	shalt  }
0x6a: {  	_ =	shalt  }
0x6b: {  	_ =	shalt  }
0x6c: {  	_ =	shalt  }
0x6d: {  	_ =	shalt  }
0x6e: {  	_ =	shalt  }
0x6f: {  	_ =	shalt  }
0x70: {  	_ =	shalt  }
0x71: {  	_ =	shalt  }
0x72: {  	_ =	shalt  }
0x73: {  	_ =	shalt  }
0x74: {  	_ =	shalt  }
0x75: {  	_ =	shalt  }
0x76: {  	_ =	shalt  }
0x77: {  	_ =	shalt  }
0x78: {  	_ =	shalt  }
0x79: {  	_ =	shalt  }
0x7a: {  	_ =	shalt  }
0x7b: {  	_ =	shalt  }
0x7c: {  	_ =	shalt  }
0x7d: {  	_ =	shalt  }
0x7e: {  	_ =	shalt  }
0x7f: {  	_ =	shalt  }
0x80: {  	_ =	shalt  }
0x81: {  	_ =	shalt  }
0x82: {  	_ =	shalt  }
0x83: {  	_ =	shalt  }
0x84: {  	_ =	shalt  }
0x85: {  	_ =	shalt  }
0x86: {  	_ =	shalt  }
0x87: {  	_ =	shalt  }
.Lfunc_end0:
.L_simem_size_0:
called_computation_lowered:
.L_overlay_start_0:
0x88: {  	s2 =	sld [smem:$0x3FD9]  }
0x89: {  	s3 =	sld [smem:$0x3FFE];
	_ =	sdelay $0x1  }
0x8a: {  	s1 =	srdreg.scid  }
0x8b: {  	s0 =	sand.u32 $0x1, s1  }
0x8c: {  	s17 =	sshll.u32 s0, $0xA;
	s2 =	sadd.s32 s3, s2  }
0x8d: {  	s2 =	sadd.s32 s2, s17  }
0x8e: {  	[smem:$0x3FBF] =	sst s2  }
0x8f: {  	_ = 	snop  }
0x90: {  	s2 =	sld [smem:$0x3FD0];
	(tm) =	ssettm $0x1  }
0x91: {  	s18 =	sld [smem:$0x3FFB];
	_ =	sdelay $0x3  }
0x92: {  	_ =	strace s18  }
0x93: {  	s3 =	sld [smem:$0x3FFC];
	_ =	sdelay $0x3  }
0x94: {  	_ =	strace s3  }
0x95: {  	s3 =	sld [smem:$0x3FFD];
	_ =	sdelay $0x3  }
0x96: {  	_ =	strace s3  }
0x97: {  	_ =	strace $0x8FFFFFFF  }
0x98: {  	s19 =	sld [smem:$0x3FDB];
	_ =	sdelay $0x1  }
0x99: {  	s4 =	simm.s32 $_scs_section_size  }
0x9a: {  	s5 =	simm.s32 $_size__tile_overlayer_lowered;
	s6 =	simm.s32 $_tile_overlayer_lowered  }
0x9b: {  	s22 =	simm.s32 $0x1BFF;
	s21 =	sshll.u32 s6, $0x1;
	s3 =	sadd.s32 s4, s19  }
0x9c: {  	s7 =	simm.s32 $0x0;
	s20 =	sshll.u32 s5, $0x1;
	s5 =	sadd.s32 s21, s3  }
0x9d: {  	[timem:s7], [sflag:s22] =	dma.local [hbm:s5], s20  }
0x9e: {  	_ =	swait.ge [sflag:s22], s20  }
0x9f: {  	s4 =	ssub.s32 $0x0, s20;
	[sflag:s22] =	ssyncset.done $0x0  }
0xa0: {  	[sflag:s22] =	ssyncadd.s32 s4;
	_ =	sdelay $0x1  }
0xa1: {  	s23 =	simm.s32 $0x1B8B  }
0xa2: {  	_ =	swait.ge [sflag:s23], $0x1  }
0xa3: {  	[sflag:s23] =	ssyncset.done $0x0  }
0xa4: {  	s25 =	simm.s32 $0x1B8E;
	s24 =	sld [smem:$0x3FFE];
	[sflag:s23] =	ssyncadd.s32 $0xFFFFFFFF  }
0xa5: {  	s26 =	simm.s32 $execute0_lowered;
	[smem:$0x3FD2] =	sst s25  }
0xa6: {  	s5 =	sshll.u32 s26, $0x1;
	_ =	strace $0x80000046;
	[dreg:$0x1] =	wrdreg $0xFFFFFFFF  }
0xa7: {  	s28 =	simm.s32 $_size_execute0_lowered;
	s3 =	sadd.s32 s3, s5;
	[dreg:$0x0] =	wrdreg $0x0  }
0xa8: {  	s5 =	sshll.u32 s28, $0x1;
	[dreg:$0x2] =	wrdreg s3  }
0xa9: {  	[dreg:$0x3] =	wrdreg s5  }
0xaa: {  	[dreg:$0x4] =	wrdreg $0xC0  }
0xab: {  	_ =	task [dreg:s7], $0x5FFFF  }
0xac: {  	[dreg:$0x1] =	wrdreg $0xFFFFFFFF  }
0xad: {  	[dreg:$0x0] =	wrdreg $0x60  }
0xae: {  	[dreg:$0x2] =	wrdreg s2  }
0xaf: {  	[dreg:$0x3] =	wrdreg s24  }
0xb0: {  	[dreg:$0x4] =	wrdreg $0x9  }
0xb1: {  	_ =	task.clear_ibuf [dreg:s7], $0x5FFFF;
	_ =	strace $0x90000046  }
0xb2: {  	s29 =	simm.s32 $0x9;
	_ =	strace $0x80000048  }
0xb3: {  	_ =	swait.ge [sflag:s29], $0x1  }
0xb4: {  	[sflag:s29] =	ssyncadd.s32 $0xFFFFFFFF  }
0xb5: {  	_ =	strace $0x90000048  }
0xb6: {  	_ =	sfence  }
0xb7: {  	s30 =	sld [smem:$0x0];
	_ =	sdelay $0x2  }
0xb8: {  	s31 =	sshll.u32 s1, $0xD;
	s1 =	sshrl.u32 s1, $0x2  }
0xb9: {  	s3 =	sand.u32 $0x4000, s31;
	s1 =	sadd.s32 s1, s30  }
0xba: {  	s0 =	sor.u32 s3, s0;
	s1 =	sshll.u32 s1, $0x11  }
0xbb: {  	s0 =	sor.u32 s1, s0  }
0xbc: {  	s0 =	sadd.s32 $0x8F2B, s0  }
0xbd: {  	[sflag:s0] =	ssyncadd.remote.s32 $0x1  }
0xbe: {  	_ =	sfence.sel $0xFFFF  }
0xbf: {  	[dreg:$0x0] =	wrdreg $0xFFFFFFFF;
	(pc) =	sbr.abs _section_cstart, $3  }
0xc0: {  	[dreg:$0x1] =	wrdreg $0xFFFFFFFF  }
0xc1: {  	_ =	task.clear_ibuf [dreg:s7], $0x2FFFF;
	_ =	strace $0x9FFFFFFF  }
0xc2: {  	(tm) =	ssettm $0x7FFFFFFF  }
0xc3: {  	_ =	shalt  }
tec
execute0_lowered:
.L_overlay_start_1:
0x0: {  	(tag) =	ssettag $0x1  }
0x1: {  	s0 =	srdreg.scid;
	s2 =	rddreg [dreg:$0x0]  }
0x2: {  	s1 =	stileid.u32;
	s4 =	rddreg [dreg:$0x1]  }
0x3: {  	s3 =	simm.s32 $0x0;
	s7 =	simm.s32 $0x2;
	s8 =	simm.s32 $0x7D  }
0x4: {  	s9 =	simm.s32 $0x1400;
	s31 =	simm.s32 $0x580;
	s10 =	simm.s32 $0x71C0  }
0x5: {  	s11 =	simm.s32 $0x680;
	s12 =	simm.s32 $0x7990;
	s13 =	simm.s32 $0x700  }
0x6: {  	s14 =	simm.s32 $0x8160;
	s15 =	simm.s32 $0x780;
	s16 =	simm.s32 $0x8930  }
0x7: {  	s17 =	simm.s32 $0x800;
	s18 =	simm.s32 $0x9100;
	s19 =	simm.s32 $0x880  }
0x8: {  	s20 =	simm.s32 $0x98D0;
	s21 =	simm.s32 $0x900;
	s22 =	simm.s32 $0xA0A0  }
0x9: {  	s23 =	simm.s32 $0x980;
	s0 =	sand.u32 $0x1, s0;
	s1 =	sshll.u32 s1, $0x1  }
0xa: {  	s24 =	simm.s32 $0xA870;
	s25 =	simm.s32 $0x1;
	s1 =	sor.u32 s0, s1  }
0xb: {  	s26 =	simm.s32 $0x0;
	s0 =	ssub.s32 $0x2, s0;
	s5 =	smul.u32 $0x280, s1  }
0xc: {  	[smem:$0x7FF] =	sst s3;
	s1 =	smul.u32 $0x2710, s1;
	s6 =	sshrl.u32 s0, $0x1  }
0xd: {  	_ =	strace $0x80000047;
	s0 =	ssub.s32 s0, s6;
	s5 =	sadd.s32 s5, s4  }
0xe: {  	s1 =	sadd.s32 s1, s4;
	s6 =	smax.u32 s0, $0x1;
	s0 =	simm.s32 $0x600  }
0xf: {  	s4 =	sadd.s32 $0xE00, s5;
	s5 =	sadd.s32 $0x5E00, s1;
	s1 =	simm.s32 $0x69F0  }
.LBB2_1:
0x10: {  	[tilespmem:s3], [sflag:$0x2] =	stream.linear.gather [hbm4b:s4+s3], $0x1400, $0x38;
	[tilespmem:$0x14C80] =	vst v63  }
0x11: {  	_ =	swait.ge [sflag:s7], $0x1400  }
0x12: {  	[sflag:s7] =	ssyncset.done $0x0  }
0x13: {  	[sflag:s7] =	ssyncadd.s32 $0xFFFFEC00  }
0x14: {  	[tilespmem:s9], [sflag:$0x1] =	stream.indirect.gather [hbm4b:s2+s8], $0x10, s3, s8, $0xb8;
	[tilespmem:$0x14C80] =	vst v63  }
0x15: {  	s28 =	simm.s32 $0x80;
	s29 =	simm.s32 $0x1BD0  }
0x16: {  	[tilespmem:s29], [sflag:$0x1] =	stream.indirect.gather [hbm4b:s2+s8], $0x10, s28, s8, $0xb8;
	[tilespmem:$0x14C80] =	vst v63  }
0x17: {  	s28 =	simm.s32 $0x100;
	s29 =	simm.s32 $0x23A0  }
0x18: {  	[tilespmem:s29], [sflag:$0x1] =	stream.indirect.gather [hbm4b:s2+s8], $0x10, s28, s8, $0xb8;
	[tilespmem:$0x14C80] =	vst v63  }
0x19: {  	s28 =	simm.s32 $0x180;
	s29 =	simm.s32 $0x2B70  }
0x1a: {  	[tilespmem:s29], [sflag:$0x1] =	stream.indirect.gather [hbm4b:s2+s8], $0x10, s28, s8, $0xb8;
	[tilespmem:$0x14C80] =	vst v63  }
0x1b: {  	s28 =	simm.s32 $0x200;
	s29 =	simm.s32 $0x3340  }
0x1c: {  	[tilespmem:s29], [sflag:$0x1] =	stream.indirect.gather [hbm4b:s2+s8], $0x10, s28, s8, $0xb8;
	[tilespmem:$0x14C80] =	vst v63  }
0x1d: {  	s28 =	simm.s32 $0x280;
	s29 =	simm.s32 $0x3B10  }
0x1e: {  	[tilespmem:s29], [sflag:$0x1] =	stream.indirect.gather [hbm4b:s2+s8], $0x10, s28, s8, $0xb8;
	[tilespmem:$0x14C80] =	vst v63  }
0x1f: {  	s28 =	simm.s32 $0x300;
	s29 =	simm.s32 $0x42E0  }
0x20: {  	[tilespmem:s29], [sflag:$0x1] =	stream.indirect.gather [hbm4b:s2+s8], $0x10, s28, s8, $0xb8;
	[tilespmem:$0x14C80] =	vst v63  }
0x21: {  	s28 =	simm.s32 $0x380;
	s29 =	simm.s32 $0x4AB0  }
0x22: {  	[tilespmem:s29], [sflag:$0x1] =	stream.indirect.gather [hbm4b:s2+s8], $0x10, s28, s8, $0xb8;
	[tilespmem:$0x14C80] =	vst v63  }
0x23: {  	s28 =	simm.s32 $0x400;
	s29 =	simm.s32 $0x5280  }
0x24: {  	[tilespmem:s29], [sflag:$0x1] =	stream.indirect.gather [hbm4b:s2+s8], $0x10, s28, s8, $0xb8;
	[tilespmem:$0x14C80] =	vst v63  }
0x25: {  	s28 =	simm.s32 $0x480;
	s29 =	simm.s32 $0x5A50  }
0x26: {  	[tilespmem:s29], [sflag:$0x1] =	stream.indirect.gather [hbm4b:s2+s8], $0x10, s28, s8, $0xb8;
	[tilespmem:$0x14C80] =	vst v63  }
0x27: {  	s28 =	simm.s32 $0x500;
	s29 =	simm.s32 $0x6220  }
0x28: {  	[tilespmem:s29], [sflag:$0x1] =	stream.indirect.gather [hbm4b:s2+s8], $0x10, s28, s8, $0xb8;
	[tilespmem:$0x14C80] =	vst v63  }
0x29: {  	_ = 	snop  }
0x2a: {  	[tilespmem:s1], [sflag:$0x1] =	stream.indirect.gather [hbm4b:s2+s8], $0x10, s31, s8, $0xb8;
	[tilespmem:$0x14C80] =	vst v63  }
0x2b: {  	_ = 	snop  }
0x2c: {  	[tilespmem:s10], [sflag:$0x1] =	stream.indirect.gather [hbm4b:s2+s8], $0x10, s0, s8, $0xb8;
	[tilespmem:$0x14C80] =	vst v63  }
0x2d: {  	_ = 	snop  }
0x2e: {  	[tilespmem:s12], [sflag:$0x1] =	stream.indirect.gather [hbm4b:s2+s8], $0x10, s11, s8, $0xb8;
	[tilespmem:$0x14C80] =	vst v63  }
0x2f: {  	_ = 	snop  }
0x30: {  	[tilespmem:s14], [sflag:$0x1] =	stream.indirect.gather [hbm4b:s2+s8], $0x10, s13, s8, $0xb8;
	[tilespmem:$0x14C80] =	vst v63  }
0x31: {  	_ = 	snop  }
0x32: {  	[tilespmem:s16], [sflag:$0x1] =	stream.indirect.gather [hbm4b:s2+s8], $0x10, s15, s8, $0xb8;
	[tilespmem:$0x14C80] =	vst v63  }
0x33: {  	_ = 	snop  }
0x34: {  	[tilespmem:s18], [sflag:$0x1] =	stream.indirect.gather [hbm4b:s2+s8], $0x10, s17, s8, $0xb8;
	[tilespmem:$0x14C80] =	vst v63  }
0x35: {  	_ = 	snop  }
0x36: {  	[tilespmem:s20], [sflag:$0x1] =	stream.indirect.gather [hbm4b:s2+s8], $0x10, s19, s8, $0xb8;
	[tilespmem:$0x14C80] =	vst v63  }
0x37: {  	_ = 	snop  }
0x38: {  	[tilespmem:s22], [sflag:$0x1] =	stream.indirect.gather [hbm4b:s2+s8], $0x10, s21, s8, $0xb8;
	[tilespmem:$0x14C80] =	vst v63  }
0x39: {  	_ = 	snop  }
0x3a: {  	[tilespmem:s24], [sflag:$0x1] =	stream.indirect.gather [hbm4b:s2+s8], $0x10, s23, s8, $0xb8;
	[tilespmem:$0x14C80] =	vst v63  }
0x3b: {  	_ =	swait.ge [sflag:s25], $0x7D0  }
0x3c: {  	[sflag:s25] =	ssyncset.done $0x0  }
0x3d: {  	s28 =	simm.s32 $0xB040;
	s29 =	simm.s32 $0xA00;
	[sflag:s25] =	ssyncadd.s32 $0xFFFFF830  }
0x3e: {  	[tilespmem:s28], [sflag:$0x1] =	stream.indirect.gather [hbm4b:s2+s8], $0x10, s29, s8, $0xb8;
	[tilespmem:$0x14C80] =	vst v63  }
0x3f: {  	s29 =	simm.s32 $0x200  }
.LBB2_2:
0x40: {  	_ =	swait.ge [sflag:s25], $0x7D0;
	p0 =	sne.s32 s29, $0x2600  }
.Ltmp0:
0x41: {  	(pc) =	sbr.rel @p0 .LBB2_2-.Ltmp0, $4  }
0x42: {  	s30 =	sshra.s32 s29, $0x2  }
0x43: {  	s29 =	sadd.s32 $0x200, s29;
	[sflag:s25] =	ssyncset.done $0x0  }
0x44: {  	s28 =	sadd.s32 $0x7D0, s28;
	s30 =	sadd.s32 $0xA00, s30;
	[sflag:s25] =	ssyncadd.s32 $0xFFFFF830  }
0x45: {  	[tilespmem:s28], [sflag:$0x1] =	stream.indirect.gather [hbm4b:s2+s8], $0x10, s30, s8, $0xb8;
	[tilespmem:$0x14C80] =	vst v63  }
0x46: {  	_ =	swait.ge [sflag:s25], $0x7D0  }
0x47: {  	[sflag:s25] =	ssyncset.done $0x0  }
0x48: {  	[sflag:s25] =	ssyncadd.s32 $0xFFFFF830  }
0x49: {  	_ =	swait.ge [sflag:s25], $0x7D0  }
0x4a: {  	[sflag:s25] =	ssyncset.done $0x0  }
0x4b: {  	[sflag:s25] =	ssyncadd.s32 $0xFFFFF830  }
0x4c: {  	_ =	swait.ge [sflag:s25], $0x7D0  }
0x4d: {  	[sflag:s25] =	ssyncset.done $0x0  }
0x4e: {  	[sflag:s25] =	ssyncadd.s32 $0xFFFFF830  }
0x4f: {  	_ =	swait.ge [sflag:s25], $0x7D0  }
0x50: {  	[sflag:s25] =	ssyncset.done $0x0  }
0x51: {  	[sflag:s25] =	ssyncadd.s32 $0xFFFFF830  }
0x52: {  	_ =	swait.ge [sflag:s25], $0x7D0  }
0x53: {  	[sflag:s25] =	ssyncset.done $0x0  }
0x54: {  	[sflag:s25] =	ssyncadd.s32 $0xFFFFF830  }
0x55: {  	_ =	swait.ge [sflag:s25], $0x7D0  }
0x56: {  	[sflag:s25] =	ssyncset.done $0x0  }
0x57: {  	[sflag:s25] =	ssyncadd.s32 $0xFFFFF830  }
0x58: {  	_ =	swait.ge [sflag:s25], $0x7D0  }
0x59: {  	[sflag:s25] =	ssyncset.done $0x0  }
0x5a: {  	[sflag:s25] =	ssyncadd.s32 $0xFFFFF830  }
0x5b: {  	_ =	swait.ge [sflag:s25], $0x7D0  }
0x5c: {  	[sflag:s25] =	ssyncset.done $0x0  }
0x5d: {  	[sflag:s25] =	ssyncadd.s32 $0xFFFFF830  }
0x5e: {  	_ =	swait.ge [sflag:s25], $0x7D0  }
0x5f: {  	[sflag:s25] =	ssyncset.done $0x0  }
0x60: {  	[sflag:s25] =	ssyncadd.s32 $0xFFFFF830  }
0x61: {  	_ =	swait.ge [sflag:s25], $0x7D0  }
0x62: {  	[sflag:s25] =	ssyncset.done $0x0  }
0x63: {  	[sflag:s25] =	ssyncadd.s32 $0xFFFFF830  }
0x64: {  	_ =	swait.ge [sflag:s25], $0x7D0  }
0x65: {  	[sflag:s25] =	ssyncset.done $0x0  }
0x66: {  	[sflag:s25] =	ssyncadd.s32 $0xFFFFF830  }
0x67: {  	_ =	swait.ge [sflag:s25], $0x7D0  }
0x68: {  	[sflag:s25] =	ssyncset.done $0x0  }
0x69: {  	[sflag:s25] =	ssyncadd.s32 $0xFFFFF830  }
0x6a: {  	_ =	swait.ge [sflag:s25], $0x7D0  }
0x6b: {  	[sflag:s25] =	ssyncset.done $0x0  }
0x6c: {  	[sflag:s25] =	ssyncadd.s32 $0xFFFFF830  }
0x6d: {  	_ =	swait.ge [sflag:s25], $0x7D0  }
0x6e: {  	[sflag:s25] =	ssyncset.done $0x0  }
0x6f: {  	[sflag:s25] =	ssyncadd.s32 $0xFFFFF830  }
0x70: {  	_ =	swait.ge [sflag:s25], $0x7D0  }
0x71: {  	[sflag:s25] =	ssyncset.done $0x0  }
0x72: {  	[sflag:s25] =	ssyncadd.s32 $0xFFFFF830  }
0x73: {  	_ =	swait.ge [sflag:s25], $0x7D0  }
0x74: {  	[sflag:s25] =	ssyncset.done $0x0  }
0x75: {  	[sflag:s25] =	ssyncadd.s32 $0xFFFFF830  }
0x76: {  	_ =	swait.ge [sflag:s25], $0x7D0  }
0x77: {  	[sflag:s25] =	ssyncset.done $0x0  }
0x78: {  	[sflag:s25] =	ssyncadd.s32 $0xFFFFF830  }
0x79: {  	_ =	swait.ge [sflag:s25], $0x7D0  }
0x7a: {  	[sflag:s25] =	ssyncset.done $0x0  }
0x7b: {  	[sflag:s25] =	ssyncadd.s32 $0xFFFFF830  }
0x7c: {  	_ =	swait.ge [sflag:s25], $0x7D0  }
0x7d: {  	[sflag:s25] =	ssyncset.done $0x0  }
0x7e: {  	[sflag:s25] =	ssyncadd.s32 $0xFFFFF830  }
0x7f: {  	s26 =	sadd.s32 $0x1, s26;
	_ =	swait.ge [sflag:s25], $0x7D0  }
0x80: {  	p0 =	sne.s32 s26, s6;
	[sflag:s25] =	ssyncset.done $0x0  }
.Ltmp1:
0x81: {  	[sflag:s25] =	ssyncadd.s32 $0xFFFFF830;
	(pc) =	sbr.rel @p0 .LBB2_1-.Ltmp1, $4  }
0x82: {  	[hbm4b:s5+s3] =	stream.linear.scatter [tilespmem:s9], [sflag:$0x2], $0x13880, $0x38;
	[tilespmem:$0x14C80] =	vst v63  }
0x83: {  	_ =	swait.ge [sflag:s7], $0x13880  }
0x84: {  	[sflag:s7] =	ssyncset.done $0x0  }
0x85: {  	[sflag:s7] =	ssyncadd.s32 $0xFFFEC780  }
0x86: {  	_ =	sfence.sel $0x180000  }
0x87: {  	[bflag:$0x0] =	sbarrier.arrive $0xFFFF  }
0x88: {  	_ =	strace $0x90000047  }
0x89: {  	s0 =	stileid.u32;
	[bflag:$0x2] =	sbarrier.arrive $0xFFFF  }
0x8a: {  	p0 =	sne.s32 s0, $0x0;
	s0 =	rddreg [dreg:$0x2]  }
0x8b: {  	s0 =	sadd.s32 @!p0 $0x100000, s0  }
0x8c: {  	[sflag:s0] =	ssyncadd.tile.s32 @!p0 $0x1;
	_ =	shalt  }
.Lfunc_end2:
_tile_overlayer_lowered:
.L_overlay_start_2:
0x8d: {  	(tag) =	ssettag $0x2  }
0x8e: {  	s0 =	rddreg [dreg:$0x0];
	s2 =	stileid.u32  }
0x8f: {  	s1 =	rddreg [dreg:$0x1];
	p0 =	sne.s32 s2, $0x0  }
0x90: {  	s3 =	rddreg [dreg:$0x2];
	[bflag:$0x3] =	sbarrier.arrive $0xFFFF;
	s2 =	simm.s32 @!p0 $0x1C02  }
0x91: {  	[timem:s3], [sflag:s2] =	dma.local @!p0 [hbm:s0], s1  }
0x92: {  	s0 =	simm.s32 @!p0 $0x2  }
0x93: {  	_ =	swait.ge @!p0 [sflag:s0], s1  }
0x94: {  	s1 =	ssub.s32 @!p0 $0x0, s1;
	[sflag:s0] =	ssyncset.done @!p0 $0x0  }
0x95: {  	[sflag:s0] =	ssyncadd.s32 @!p0 s1  }
0x96: {  	[bflag:$0x3] =	sbarrier.arrive $0xFFFF  }
0x97: {  	_ =	shalt  }

// kernel: kernel.9.cloned.1.call-start
scs
__scs_entry_jumppad:
0x0: {  	(pc) =	sbr.rel $0x88, $3  }
0x1: {  	(tag) =	ssettag $0x0;
	lr =	simm.s32 $0x1  }
0x2: {  	[smem:$0x3F98] =	sst lr;
	_ =	strace $0xD0000000  }
0x3: {  	_ = 	snop  }
0x4: {  	_ = 	snop  }
0x5: {  	_ = 	snop  }
0x6: {  	_ = 	snop  }
0x7: {  	_ = 	snop  }
__scs_overlays_trampoline_lowered:
0x8: {  	[smem:$0x3FA7] =	sst s0  }
0x9: {  	[smem:$0x3FA8] =	sst s1  }
0xa: {  	[smem:$0x3FA9] =	sst s2  }
0xb: {  	[smem:$0x3FAA] =	sst s3  }
0xc: {  	[smem:$0x3FAB] =	sst s4  }
0xd: {  	[smem:$0x3FAC] =	sst s5  }
0xe: {  	[smem:$0x3FAD] =	sst s6  }
0xf: {  	[smem:$0x3FAE] =	sst s7  }
0x10: {  	[smem:$0x3FAF] =	sst s8  }
0x11: {  	[smem:$0x3FB0] =	sst s9;
	s0 =	simm.s32 @!p0 $0x0  }
0x12: {  	s1 =	sld [smem:$0x3F96];
	s0 =	simm.s32 @p0 $0x1  }
0x13: {  	[smem:$0x3FB1] =	sst s0;
	s0 =	simm.s32 @!p1 $0x0  }
0x14: {  	s2 =	sld [smem:$0x3F95];
	s0 =	simm.s32 @p1 $0x1  }
0x15: {  	[smem:$0x3FB2] =	sst s0;
	s0 =	simm.s32 @!p2 $0x0  }
0x16: {  	s3 =	sld [smem:$0x3FDB];
	s0 =	simm.s32 @p2 $0x1  }
0x17: {  	s4 =	simm.s32 $0x1BF5;
	[smem:$0x3FB4] =	sst s0  }
0x18: {  	s0 =	sld [smem:$0x3F97];
	_ =	swait.ge [sflag:s4], $0x0  }
0x19: {  	s7 =	sld [smem:$0x3F98]  }
0x1a: {  	s8 =	sadd.s32 $0xFFFFE003, lr  }
0x1b: {  	s9 =	sadd.s32 $0xFFFFFEF7, lr;
	s5 =	simm.s32 $0xFFFFFFFF;
	p2 =	slt.u32 s8, $0xFFFFF086  }
0x1c: {  	p1 =	slt.u32 s9, $0xF7A;
	s5 =	simm.s32 @!p2 $0x0  }
0x1d: {  	s5 =	simm.s32 @p1 $0x1;
	p0 =	seq.s32 s7, s2  }
0x1e: {  	s7 =	smul.u32 @!p0 $0xF7A, s2;
	p2 =	seq.s32 @!p0 s5, $0x0  }
0x1f: {  	s9 =	smul.u32 $0xF7A, s1;
	s8 =	simm.s32 @!p0 $0x1BF5;
	p2 =	por !p2, p0  }
0x20: {  	[sflag:s8] =	ssyncset.s32 @!p0 $0xFFFFF086;
	s6 =	sadd.s32 @!p0 s3, s7;
	s7 =	simm.s32 @!p0 $0x108  }
0x21: {  	s3 =	sadd.s32 s3, s9;
	s6 =	sadd.s32 @!p0 $0x88, s6;
	s7 =	simm.s32 @p2 $0x1082  }
0x22: {  	[simem:s7], [sflag:s8] =	dma.local @!p0 [hbm:s6], $0xF7A  }
0x23: {  	s9 =	sor.u32 $0xD0000000, s2;
	s6 =	simm.s32 $0x108;
	_ =	swait.ge @!p0 [sflag:s8], $0x0  }
0x24: {  	s3 =	sadd.s32 $0x88, s3;
	s6 =	simm.s32 @!p1 $0x1082;
	[sflag:s4] =	ssyncset.s32 $0xFFFFF086  }
0x25: {  	[simem:s6], [sflag:s4] =	dma.local [hbm:s3], $0xF7A  }
0x26: {  	[smem:$0x3F98] =	sst s1;
	(tag) =	ssettag s2;
	_ =	strace s9  }
0x27: {  	s1 =	sld [smem:$0x3FA8]  }
0x28: {  	s2 =	sld [smem:$0x3FA9]  }
0x29: {  	s4 =	sld [smem:$0x3FAB]  }
0x2a: {  	p0 =	seq.s32 s5, $0x0;
	s5 =	sld [smem:$0x3FAC]  }
0x2b: {  	s6 =	sld [smem:$0x3FAD]  }
0x2c: {  	s7 =	sld [smem:$0x3FAE]  }
0x2d: {  	s3 =	simm.s32 $0x108;
	s8 =	sld [smem:$0x3FAF]  }
0x2e: {  	s3 =	simm.s32 @!p0 $0x1082;
	s9 =	sld [smem:$0x3FB0]  }
0x2f: {  	lr =	sadd.s32 s0, s3;
	s0 =	sld [smem:$0x3FA7]  }
0x30: {  	s3 =	sld [smem:$0x3FAA]  }
0x31: {  	[smem:$0x3FB3] =	sst s10  }
0x32: {  	s10 =	sld [smem:$0x3FB1];
	_ =	sdelay $0x3  }
0x33: {  	p0 =	seq.s32 s10, $0x1;
	s10 =	sld [smem:$0x3FB3];
	_ =	sdelay $0x3  }
0x34: {  	[smem:$0x3FB3] =	sst s10  }
0x35: {  	s10 =	sld [smem:$0x3FB2];
	_ =	sdelay $0x3  }
0x36: {  	p1 =	seq.s32 s10, $0x1;
	s10 =	sld [smem:$0x3FB3];
	_ =	sdelay $0x3  }
0x37: {  	[smem:$0x3FB3] =	sst s10  }
0x38: {  	s10 =	sld [smem:$0x3FB4]  }
0x39: {  	_ = 	snop;
	(pc) =	sbr.ind lr, $3  }
0x3a: {  	_ = 	snop  }
0x3b: {  	_ = 	snop  }
0x3c: {  	p2 =	seq.s32 s10, $0x1;
	s10 =	sld [smem:$0x3FB3]  }
0x3d: {  	_ =	shalt  }
0x3e: {  	_ =	shalt  }
0x3f: {  	_ =	shalt  }
0x40: {  	_ =	shalt  }
0x41: {  	_ =	shalt  }
0x42: {  	_ =	shalt  }
0x43: {  	_ =	shalt  }
0x44: {  	_ =	shalt  }
0x45: {  	_ =	shalt  }
0x46: {  	_ =	shalt  }
0x47: {  	_ =	shalt  }
0x48: {  	_ =	shalt  }
0x49: {  	_ =	shalt  }
0x4a: {  	_ =	shalt  }
0x4b: {  	_ =	shalt  }
0x4c: {  	_ =	shalt  }
0x4d: {  	_ =	shalt  }
0x4e: {  	_ =	shalt  }
0x4f: {  	_ =	shalt  }
0x50: {  	_ =	shalt  }
0x51: {  	_ =	shalt  }
0x52: {  	_ =	shalt  }
0x53: {  	_ =	shalt  }
0x54: {  	_ =	shalt  }
0x55: {  	_ =	shalt  }
0x56: {  	_ =	shalt  }
0x57: {  	_ =	shalt  }
0x58: {  	_ =	shalt  }
0x59: {  	_ =	shalt  }
0x5a: {  	_ =	shalt  }
0x5b: {  	_ =	shalt  }
0x5c: {  	_ =	shalt  }
0x5d: {  	_ =	shalt  }
0x5e: {  	_ =	shalt  }
0x5f: {  	_ =	shalt  }
0x60: {  	_ =	shalt  }
0x61: {  	_ =	shalt  }
0x62: {  	_ =	shalt  }
0x63: {  	_ =	shalt  }
0x64: {  	_ =	shalt  }
0x65: {  	_ =	shalt  }
0x66: {  	_ =	shalt  }
0x67: {  	_ =	shalt  }
0x68: {  	_ =	shalt  }
0x69: {  	_ =	shalt  }
0x6a: {  	_ =	shalt  }
0x6b: {  	_ =	shalt  }
0x6c: {  	_ =	shalt  }
0x6d: {  	_ =	shalt  }
0x6e: {  	_ =	shalt  }
0x6f: {  	_ =	shalt  }
0x70: {  	_ =	shalt  }
0x71: {  	_ =	shalt  }
0x72: {  	_ =	shalt  }
0x73: {  	_ =	shalt  }
0x74: {  	_ =	shalt  }
0x75: {  	_ =	shalt  }
0x76: {  	_ =	shalt  }
0x77: {  	_ =	shalt  }
0x78: {  	_ =	shalt  }
0x79: {  	_ =	shalt  }
0x7a: {  	_ =	shalt  }
0x7b: {  	_ =	shalt  }
0x7c: {  	_ =	shalt  }
0x7d: {  	_ =	shalt  }
0x7e: {  	_ =	shalt  }
0x7f: {  	_ =	shalt  }
0x80: {  	_ =	shalt  }
0x81: {  	_ =	shalt  }
0x82: {  	_ =	shalt  }
0x83: {  	_ =	shalt  }
0x84: {  	_ =	shalt  }
0x85: {  	_ =	shalt  }
0x86: {  	_ =	shalt  }
0x87: {  	_ =	shalt  }
.Lfunc_end0:
.L_simem_size_0:
called_computation.1_lowered:
.L_overlay_start_0:
0x88: {  	s2 =	sld [smem:$0x3FD9]  }
0x89: {  	s3 =	sld [smem:$0x3FFE];
	_ =	sdelay $0x1  }
0x8a: {  	s1 =	srdreg.scid  }
0x8b: {  	s0 =	sand.u32 $0x1, s1  }
0x8c: {  	s17 =	sshll.u32 s0, $0xA;
	s2 =	sadd.s32 s3, s2  }
0x8d: {  	s2 =	sadd.s32 s2, s17  }
0x8e: {  	[smem:$0x3FBF] =	sst s2  }
0x8f: {  	_ = 	snop  }
0x90: {  	s2 =	sld [smem:$0x3FD0];
	(tm) =	ssettm $0x1  }
0x91: {  	s18 =	sld [smem:$0x3FFB];
	_ =	sdelay $0x3  }
0x92: {  	_ =	strace s18  }
0x93: {  	s3 =	sld [smem:$0x3FFC];
	_ =	sdelay $0x3  }
0x94: {  	_ =	strace s3  }
0x95: {  	s3 =	sld [smem:$0x3FFD];
	_ =	sdelay $0x3  }
0x96: {  	_ =	strace s3  }
0x97: {  	_ =	strace $0x8FFFFFFF  }
0x98: {  	s19 =	sld [smem:$0x3FDB];
	_ =	sdelay $0x1  }
0x99: {  	s4 =	simm.s32 $_scs_section_size  }
0x9a: {  	s5 =	simm.s32 $_size__tile_overlayer_lowered;
	s6 =	simm.s32 $_tile_overlayer_lowered  }
0x9b: {  	s22 =	simm.s32 $0x1BFF;
	s21 =	sshll.u32 s6, $0x1;
	s3 =	sadd.s32 s4, s19  }
0x9c: {  	s7 =	simm.s32 $0x0;
	s20 =	sshll.u32 s5, $0x1;
	s5 =	sadd.s32 s21, s3  }
0x9d: {  	[timem:s7], [sflag:s22] =	dma.local [hbm:s5], s20  }
0x9e: {  	_ =	swait.ge [sflag:s22], s20  }
0x9f: {  	s4 =	ssub.s32 $0x0, s20;
	[sflag:s22] =	ssyncset.done $0x0  }
0xa0: {  	[sflag:s22] =	ssyncadd.s32 s4;
	_ =	sdelay $0x1  }
0xa1: {  	s23 =	simm.s32 $0x1B8B  }
0xa2: {  	_ =	swait.ge [sflag:s23], $0x1  }
0xa3: {  	[sflag:s23] =	ssyncset.done $0x0  }
0xa4: {  	s25 =	simm.s32 $0x1B8E;
	s24 =	sld [smem:$0x3FFE];
	[sflag:s23] =	ssyncadd.s32 $0xFFFFFFFF  }
0xa5: {  	s26 =	simm.s32 $execute0_lowered;
	[smem:$0x3FD2] =	sst s25  }
0xa6: {  	s5 =	sshll.u32 s26, $0x1;
	_ =	strace $0x80000049;
	[dreg:$0x1] =	wrdreg $0xFFFFFFFF  }
0xa7: {  	s28 =	simm.s32 $_size_execute0_lowered;
	s3 =	sadd.s32 s3, s5;
	[dreg:$0x0] =	wrdreg $0x0  }
0xa8: {  	s5 =	sshll.u32 s28, $0x1;
	[dreg:$0x2] =	wrdreg s3  }
0xa9: {  	[dreg:$0x3] =	wrdreg s5  }
0xaa: {  	[dreg:$0x4] =	wrdreg $0xC0  }
0xab: {  	_ =	task [dreg:s7], $0x5FFFF  }
0xac: {  	[dreg:$0x1] =	wrdreg $0xFFFFFFFF  }
0xad: {  	[dreg:$0x0] =	wrdreg $0x60  }
0xae: {  	[dreg:$0x2] =	wrdreg s24  }
0xaf: {  	[dreg:$0x3] =	wrdreg s2  }
0xb0: {  	[dreg:$0x4] =	wrdreg $0x14C800  }
0xb1: {  	[dreg:$0x5] =	wrdreg $0x9  }
0xb2: {  	_ =	task.clear_ibuf [dreg:s7], $0x6FFFF;
	_ =	strace $0x90000049  }
0xb3: {  	s29 =	simm.s32 $0x9;
	_ =	strace $0x8000004B  }
0xb4: {  	_ =	swait.ge [sflag:s29], $0x1  }
0xb5: {  	[sflag:s29] =	ssyncadd.s32 $0xFFFFFFFF  }
0xb6: {  	_ =	strace $0x9000004B  }
0xb7: {  	_ =	sfence  }
0xb8: {  	s30 =	sld [smem:$0x0];
	_ =	sdelay $0x2  }
0xb9: {  	s31 =	sshll.u32 s1, $0xD;
	s1 =	sshrl.u32 s1, $0x2  }
0xba: {  	s3 =	sand.u32 $0x4000, s31;
	s1 =	sadd.s32 s1, s30  }
0xbb: {  	s0 =	sor.u32 s3, s0;
	s1 =	sshll.u32 s1, $0x11  }
0xbc: {  	s0 =	sor.u32 s1, s0  }
0xbd: {  	s0 =	sadd.s32 $0x8F2B, s0  }
0xbe: {  	[sflag:s0] =	ssyncadd.remote.s32 $0x1  }
0xbf: {  	_ =	sfence.sel $0xFFFF  }
0xc0: {  	[dreg:$0x0] =	wrdreg $0xFFFFFFFF;
	(pc) =	sbr.abs _section_cstart, $3  }
0xc1: {  	[dreg:$0x1] =	wrdreg $0xFFFFFFFF  }
0xc2: {  	_ =	task.clear_ibuf [dreg:s7], $0x2FFFF;
	_ =	strace $0x9FFFFFFF  }
0xc3: {  	(tm) =	ssettm $0x7FFFFFFF  }
tec
execute0_lowered:
.L_overlay_start_1:
0x0: {  	(tag) =	ssettag $0x1  }
0x1: {  	s0 =	rddreg [dreg:$0x0]  }
0x2: {  	s1 =	rddreg [dreg:$0x1]  }
0x3: {  	s2 =	rddreg [dreg:$0x2];
	s3 =	srdreg.scid  }
0x4: {  	s11 =	stileid.u32;
	s12 =	simm.s32 $0x1400;
	s13 =	simm.s32 $0x7D  }
0x5: {  	s19 =	simm.s32 $0x680;
	s20 =	simm.s32 $0x7990;
	s21 =	simm.s32 $0x700  }
0x6: {  	s22 =	simm.s32 $0x8160;
	s28 =	simm.s32 $0x880;
	s29 =	simm.s32 $0x98D0  }
0x7: {  	s30 =	simm.s32 $0x900;
	s31 =	simm.s32 $0xA0A0;
	s14 =	simm.s32 $0x1  }
0x8: {  	s15 =	simm.s32 $0x0;
	s4 =	sand.u32 $0x1, s3;
	s5 =	sshll.u32 s11, $0x1  }
0x9: {  	s6 =	smul.u32 $0x2710, s11;
	s3 =	simm.s32 $0x0;
	s25 =	sshll.u32 s11, $0x6  }
0xa: {  	s11 =	simm.s32 $0x2;
	s5 =	sor.u32 s4, s5;
	s7 =	smul.u32 $0x27100, s4  }
0xb: {  	[smem:$0x7FF] =	sst s3;
	s4 =	ssub.s32 $0x2, s4;
	s8 =	smul.u32 $0x2710, s5  }
0xc: {  	_ =	strace $0x8000004A;
	s5 =	smul.u32 $0x280, s5;
	s23 =	sshrl.u32 s4, $0x1  }
0xd: {  	s24 =	sshrl.u32 s6, $0x3;
	s26 =	sadd.s32 s6, s2;
	s7 =	sadd.s32 s6, s7  }
0xe: {  	s10 =	ssub.s32 s4, s23;
	s4 =	sadd.s32 s1, s24;
	s23 =	simm.s32 $0x780  }
0xf: {  	s24 =	simm.s32 $0x8930;
	s1 =	simm.s32 $0xA870;
	s8 =	sadd.s32 s8, s0  }
0x10: {  	s7 =	sshrl.u32 s7, $0x3;
	s9 =	sadd.s32 s5, s0;
	s5 =	sor.u32 $0x1C02, s25  }
0x11: {  	s25 =	simm.s32 $0x800;
	s0 =	sadd.s32 s7, s0;
	s6 =	sadd.s32 $0x54000, s9  }
0x12: {  	s7 =	sadd.s32 $0xE00, s8;
	s9 =	smax.u32 s10, $0x1;
	s10 =	sshrl.u32 s26, $0x3  }
0x13: {  	s26 =	simm.s32 $0x9100;
	s8 =	sadd.s32 $0x59000, s0;
	s0 =	simm.s32 $0x980  }
.LBB2_1:
0x14: {  	[spmem:s10], [sflag:s5] =	dma.local [hbm:s4], $0x4E2  }
0x15: {  	_ =	swait.ge [sflag:s11], $0x4E2  }
0x16: {  	[sflag:s11] =	ssyncset.done $0x0  }
0x17: {  	[sflag:s11] =	ssyncadd.s32 $0xFFFFFB1E  }
0x18: {  	[tilespmem:s3], [sflag:$0x2] =	stream.linear.gather [hbm4b:s6+s3], $0x1400, $0x38;
	[tilespmem:$0x17390] =	vst v63  }
0x19: {  	_ =	swait.ge [sflag:s11], $0x1400  }
0x1a: {  	[sflag:s11] =	ssyncset.done $0x0  }
0x1b: {  	[sflag:s11] =	ssyncadd.s32 $0xFFFFEC00  }
0x1c: {  	[tilespmem:s12], [sflag:$0x2] =	stream.linear.gather [hbm4b:s7+s3], $0x13880, $0x38;
	[tilespmem:$0x17390] =	vst v63  }
0x1d: {  	_ =	swait.ge [sflag:s11], $0x13880  }
0x1e: {  	[sflag:s11] =	ssyncset.done $0x0  }
0x1f: {  	[sflag:s11] =	ssyncadd.s32 $0xFFFEC780  }
0x20: {  	[bflag:$0x0] =	sbarrier.arrive $0xFFFF  }
0x21: {  	[spmem:s2] =	stream.indirect.scatter.add.f32 [tilespmem:s12], [sflag:$0x1], $0x10, s3, s13, $0xb8;
	[tilespmem:$0x17390] =	vst v63  }
0x22: {  	s16 =	simm.s32 $0x80;
	s17 =	simm.s32 $0x1BD0  }
0x23: {  	[spmem:s2] =	stream.indirect.scatter.add.f32 [tilespmem:s17], [sflag:$0x1], $0x10, s16, s13, $0xb8;
	[tilespmem:$0x17390] =	vst v63  }
0x24: {  	s18 =	simm.s32 $0x23A0;
	s17 =	simm.s32 $0x100  }
0x25: {  	[spmem:s2] =	stream.indirect.scatter.add.f32 [tilespmem:s18], [sflag:$0x1], $0x10, s17, s13, $0xb8;
	[tilespmem:$0x17390] =	vst v63  }
0x26: {  	s17 =	simm.s32 $0x180;
	s18 =	simm.s32 $0x2B70  }
0x27: {  	[spmem:s2] =	stream.indirect.scatter.add.f32 [tilespmem:s18], [sflag:$0x1], $0x10, s17, s13, $0xb8;
	[tilespmem:$0x17390] =	vst v63  }
0x28: {  	s17 =	simm.s32 $0x200;
	s18 =	simm.s32 $0x3340  }
0x29: {  	[spmem:s2] =	stream.indirect.scatter.add.f32 [tilespmem:s18], [sflag:$0x1], $0x10, s17, s13, $0xb8;
	[tilespmem:$0x17390] =	vst v63  }
0x2a: {  	s17 =	simm.s32 $0x280;
	s18 =	simm.s32 $0x3B10  }
0x2b: {  	[spmem:s2] =	stream.indirect.scatter.add.f32 [tilespmem:s18], [sflag:$0x1], $0x10, s17, s13, $0xb8;
	[tilespmem:$0x17390] =	vst v63  }
0x2c: {  	s17 =	simm.s32 $0x300;
	s18 =	simm.s32 $0x42E0  }
0x2d: {  	[spmem:s2] =	stream.indirect.scatter.add.f32 [tilespmem:s18], [sflag:$0x1], $0x10, s17, s13, $0xb8;
	[tilespmem:$0x17390] =	vst v63  }
0x2e: {  	s17 =	simm.s32 $0x380;
	s18 =	simm.s32 $0x4AB0  }
0x2f: {  	[spmem:s2] =	stream.indirect.scatter.add.f32 [tilespmem:s18], [sflag:$0x1], $0x10, s17, s13, $0xb8;
	[tilespmem:$0x17390] =	vst v63  }
0x30: {  	s17 =	simm.s32 $0x400;
	s18 =	simm.s32 $0x5280  }
0x31: {  	[spmem:s2] =	stream.indirect.scatter.add.f32 [tilespmem:s18], [sflag:$0x1], $0x10, s17, s13, $0xb8;
	[tilespmem:$0x17390] =	vst v63  }
0x32: {  	s17 =	simm.s32 $0x480;
	s18 =	simm.s32 $0x5A50  }
0x33: {  	[spmem:s2] =	stream.indirect.scatter.add.f32 [tilespmem:s18], [sflag:$0x1], $0x10, s17, s13, $0xb8;
	[tilespmem:$0x17390] =	vst v63  }
0x34: {  	s17 =	simm.s32 $0x500;
	s18 =	simm.s32 $0x6220  }
0x35: {  	[spmem:s2] =	stream.indirect.scatter.add.f32 [tilespmem:s18], [sflag:$0x1], $0x10, s17, s13, $0xb8;
	[tilespmem:$0x17390] =	vst v63  }
0x36: {  	s17 =	simm.s32 $0x580;
	s18 =	simm.s32 $0x69F0  }
0x37: {  	[spmem:s2] =	stream.indirect.scatter.add.f32 [tilespmem:s18], [sflag:$0x1], $0x10, s17, s13, $0xb8;
	[tilespmem:$0x17390] =	vst v63  }
0x38: {  	s17 =	simm.s32 $0x600;
	s18 =	simm.s32 $0x71C0  }
0x39: {  	[spmem:s2] =	stream.indirect.scatter.add.f32 [tilespmem:s18], [sflag:$0x1], $0x10, s17, s13, $0xb8;
	[tilespmem:$0x17390] =	vst v63  }
0x3a: {  	_ = 	snop  }
0x3b: {  	[spmem:s2] =	stream.indirect.scatter.add.f32 [tilespmem:s20], [sflag:$0x1], $0x10, s19, s13, $0xb8;
	[tilespmem:$0x17390] =	vst v63  }
0x3c: {  	_ = 	snop  }
0x3d: {  	[spmem:s2] =	stream.indirect.scatter.add.f32 [tilespmem:s22], [sflag:$0x1], $0x10, s21, s13, $0xb8;
	[tilespmem:$0x17390] =	vst v63  }
0x3e: {  	_ = 	snop  }
0x3f: {  	[spmem:s2] =	stream.indirect.scatter.add.f32 [tilespmem:s24], [sflag:$0x1], $0x10, s23, s13, $0xb8;
	[tilespmem:$0x17390] =	vst v63  }
0x40: {  	_ = 	snop  }
0x41: {  	[spmem:s2] =	stream.indirect.scatter.add.f32 [tilespmem:s26], [sflag:$0x1], $0x10, s25, s13, $0xb8;
	[tilespmem:$0x17390] =	vst v63  }
0x42: {  	_ = 	snop  }
0x43: {  	[spmem:s2] =	stream.indirect.scatter.add.f32 [tilespmem:s29], [sflag:$0x1], $0x10, s28, s13, $0xb8;
	[tilespmem:$0x17390] =	vst v63  }
0x44: {  	_ = 	snop  }
0x45: {  	[spmem:s2] =	stream.indirect.scatter.add.f32 [tilespmem:s31], [sflag:$0x1], $0x10, s30, s13, $0xb8;
	[tilespmem:$0x17390] =	vst v63  }
0x46: {  	_ = 	snop  }
0x47: {  	[spmem:s2] =	stream.indirect.scatter.add.f32 [tilespmem:s1], [sflag:$0x1], $0x10, s0, s13, $0xb8;
	[tilespmem:$0x17390] =	vst v63  }
0x48: {  	_ =	swait.ge [sflag:s14], $0x7D0  }
0x49: {  	s16 =	simm.s32 $0xB040;
	[sflag:s14] =	ssyncset.done $0x0  }
0x4a: {  	s18 =	simm.s32 $0xA00;
	s17 =	simm.s32 $0x200;
	[sflag:s14] =	ssyncadd.s32 $0xFFFFF830  }
0x4b: {  	[spmem:s2] =	stream.indirect.scatter.add.f32 [tilespmem:s16], [sflag:$0x1], $0x10, s18, s13, $0xb8;
	[tilespmem:$0x17390] =	vst v63  }
.LBB2_2:
0x4c: {  	_ =	swait.ge [sflag:s14], $0x7D0;
	p0 =	sne.s32 s17, $0x2600  }
.Ltmp0:
0x4d: {  	(pc) =	sbr.rel @p0 .LBB2_2-.Ltmp0, $4  }
0x4e: {  	s18 =	sshra.s32 s17, $0x2  }
0x4f: {  	s17 =	sadd.s32 $0x200, s17;
	[sflag:s14] =	ssyncset.done $0x0  }
0x50: {  	s16 =	sadd.s32 $0x7D0, s16;
	s18 =	sadd.s32 $0xA00, s18;
	[sflag:s14] =	ssyncadd.s32 $0xFFFFF830  }
0x51: {  	[spmem:s2] =	stream.indirect.scatter.add.f32 [tilespmem:s16], [sflag:$0x1], $0x10, s18, s13, $0xb8;
	[tilespmem:$0x17390] =	vst v63  }
0x52: {  	_ =	swait.ge [sflag:s14], $0x7D0  }
0x53: {  	[sflag:s14] =	ssyncset.done $0x0  }
0x54: {  	[sflag:s14] =	ssyncadd.s32 $0xFFFFF830  }
0x55: {  	_ =	swait.ge [sflag:s14], $0x7D0  }
0x56: {  	[sflag:s14] =	ssyncset.done $0x0  }
0x57: {  	[sflag:s14] =	ssyncadd.s32 $0xFFFFF830  }
0x58: {  	_ =	swait.ge [sflag:s14], $0x7D0  }
0x59: {  	[sflag:s14] =	ssyncset.done $0x0  }
0x5a: {  	[sflag:s14] =	ssyncadd.s32 $0xFFFFF830  }
0x5b: {  	_ =	swait.ge [sflag:s14], $0x7D0  }
0x5c: {  	[sflag:s14] =	ssyncset.done $0x0  }
0x5d: {  	[sflag:s14] =	ssyncadd.s32 $0xFFFFF830  }
0x5e: {  	_ =	swait.ge [sflag:s14], $0x7D0  }
0x5f: {  	[sflag:s14] =	ssyncset.done $0x0  }
0x60: {  	[sflag:s14] =	ssyncadd.s32 $0xFFFFF830  }
0x61: {  	_ =	swait.ge [sflag:s14], $0x7D0  }
0x62: {  	[sflag:s14] =	ssyncset.done $0x0  }
0x63: {  	[sflag:s14] =	ssyncadd.s32 $0xFFFFF830  }
0x64: {  	_ =	swait.ge [sflag:s14], $0x7D0  }
0x65: {  	[sflag:s14] =	ssyncset.done $0x0  }
0x66: {  	[sflag:s14] =	ssyncadd.s32 $0xFFFFF830  }
0x67: {  	_ =	swait.ge [sflag:s14], $0x7D0  }
0x68: {  	[sflag:s14] =	ssyncset.done $0x0  }
0x69: {  	[sflag:s14] =	ssyncadd.s32 $0xFFFFF830  }
0x6a: {  	_ =	swait.ge [sflag:s14], $0x7D0  }
0x6b: {  	[sflag:s14] =	ssyncset.done $0x0  }
0x6c: {  	[sflag:s14] =	ssyncadd.s32 $0xFFFFF830  }
0x6d: {  	_ =	swait.ge [sflag:s14], $0x7D0  }
0x6e: {  	[sflag:s14] =	ssyncset.done $0x0  }
0x6f: {  	[sflag:s14] =	ssyncadd.s32 $0xFFFFF830  }
0x70: {  	_ =	swait.ge [sflag:s14], $0x7D0  }
0x71: {  	[sflag:s14] =	ssyncset.done $0x0  }
0x72: {  	[sflag:s14] =	ssyncadd.s32 $0xFFFFF830  }
0x73: {  	_ =	swait.ge [sflag:s14], $0x7D0  }
0x74: {  	[sflag:s14] =	ssyncset.done $0x0  }
0x75: {  	[sflag:s14] =	ssyncadd.s32 $0xFFFFF830  }
0x76: {  	_ =	swait.ge [sflag:s14], $0x7D0  }
0x77: {  	[sflag:s14] =	ssyncset.done $0x0  }
0x78: {  	[sflag:s14] =	ssyncadd.s32 $0xFFFFF830  }
0x79: {  	_ =	swait.ge [sflag:s14], $0x7D0  }
0x7a: {  	[sflag:s14] =	ssyncset.done $0x0  }
0x7b: {  	[sflag:s14] =	ssyncadd.s32 $0xFFFFF830  }
0x7c: {  	_ =	swait.ge [sflag:s14], $0x7D0  }
0x7d: {  	[sflag:s14] =	ssyncset.done $0x0  }
0x7e: {  	[sflag:s14] =	ssyncadd.s32 $0xFFFFF830  }
0x7f: {  	_ =	swait.ge [sflag:s14], $0x7D0  }
0x80: {  	[sflag:s14] =	ssyncset.done $0x0  }
0x81: {  	[sflag:s14] =	ssyncadd.s32 $0xFFFFF830  }
0x82: {  	_ =	swait.ge [sflag:s14], $0x7D0  }
0x83: {  	[sflag:s14] =	ssyncset.done $0x0  }
0x84: {  	[sflag:s14] =	ssyncadd.s32 $0xFFFFF830  }
0x85: {  	_ =	swait.ge [sflag:s14], $0x7D0  }
0x86: {  	[sflag:s14] =	ssyncset.done $0x0  }
0x87: {  	[sflag:s14] =	ssyncadd.s32 $0xFFFFF830  }
0x88: {  	_ =	swait.ge [sflag:s14], $0x7D0  }
0x89: {  	[sflag:s14] =	ssyncset.done $0x0  }
0x8a: {  	[sflag:s14] =	ssyncadd.s32 $0xFFFFF830  }
0x8b: {  	_ =	swait.ge [sflag:s14], $0x7D0  }
0x8c: {  	s15 =	sadd.s32 $0x1, s15;
	[sflag:s14] =	ssyncset.done $0x0  }
0x8d: {  	p0 =	sne.s32 s15, s9;
	[sflag:s14] =	ssyncadd.s32 $0xFFFFF830  }
.Ltmp1:
0x8e: {  	[bflag:$0x0] =	sbarrier.arrive $0xFFFF;
	(pc) =	sbr.rel @p0 .LBB2_1-.Ltmp1, $4  }
0x8f: {  	[hbm:s8], [sflag:s5] =	dma.local [spmem:s10], $0x4E2  }
0x90: {  	_ =	swait.ge [sflag:s11], $0x4E2  }
0x91: {  	[sflag:s11] =	ssyncset.done $0x0  }
0x92: {  	[sflag:s11] =	ssyncadd.s32 $0xFFFFFB1E  }
0x93: {  	_ =	sfence.sel $0x180000  }
0x94: {  	[bflag:$0x0] =	sbarrier.arrive $0xFFFF  }
0x95: {  	_ =	strace $0x9000004A  }
0x96: {  	s0 =	stileid.u32;
	[bflag:$0x2] =	sbarrier.arrive $0xFFFF  }
0x97: {  	p0 =	sne.s32 s0, $0x0;
	s0 =	rddreg [dreg:$0x3]  }
0x98: {  	s0 =	sadd.s32 @!p0 $0x100000, s0  }
0x99: {  	[sflag:s0] =	ssyncadd.tile.s32 @!p0 $0x1;
	_ =	shalt  }
.Lfunc_end2:
_tile_overlayer_lowered:
.L_overlay_start_2:
0x9a: {  	(tag) =	ssettag $0x2  }
0x9b: {  	s0 =	rddreg [dreg:$0x0];
	s2 =	stileid.u32  }
0x9c: {  	s1 =	rddreg [dreg:$0x1];
	p0 =	sne.s32 s2, $0x0  }
0x9d: {  	s3 =	rddreg [dreg:$0x2];
	[bflag:$0x3] =	sbarrier.arrive $0xFFFF;
	s2 =	simm.s32 @!p0 $0x1C02  }
0x9e: {  	[timem:s3], [sflag:s2] =	dma.local @!p0 [hbm:s0], s1  }
0x9f: {  	s0 =	simm.s32 @!p0 $0x2  }
0xa0: {  	_ =	swait.ge @!p0 [sflag:s0], s1  }
0xa1: {  	s1 =	ssub.s32 @!p0 $0x0, s1;
	[sflag:s0] =	ssyncset.done @!p0 $0x0  }
0xa2: {  	[sflag:s0] =	ssyncadd.s32 @!p0 s1  }
0xa3: {  	[bflag:$0x3] =	sbarrier.arrive $0xFFFF  }
0xa4: {  	_ =	shalt  }

</sc_bundles>
